<compile_context>
chip_gen: v7x
topology: tpu7x:2x2x1
jax: 0.10.2.dev20260603
libtpu: 0.0.44.dev20260713+nightly
codegen_flags: <defaults>
</compile_context>

<pallas_src>
import jax
import jax.numpy as jnp
from jax import lax
from jax.experimental import pallas as pl
from jax.experimental.pallas import tpu as pltpu
from jax.experimental.pallas import tpu_sc as plsc

VOCAB = 1000000
D = 64
BATCH = 4096
SEQ = 200
N = BATCH * SEQ

NC = 2
NS = 16
NW = NC * NS
B_PER_W = BATCH // NW
PER_W = B_PER_W * SEQ


def _gather_body(xf_hbm, table_hbm, out_hbm, idx_v, r0, r1, g0, g1, s0, s1):
    rows = [r0, r1]
    gs = [g0, g1]
    ss = [s0, s1]
    wid = lax.axis_index("s") * NC + lax.axis_index("c")
    b_base = wid * B_PER_W

    pltpu.sync_copy(xf_hbm.at[pl.ds(wid * PER_W, PER_W)], idx_v)

    def issue(b, buf, sem):
        base = b * SEQ

        @pl.loop(0, SEQ - 8, step=16)
        def _j(j0):
            vec = idx_v[pl.ds(base + j0, 16)]
            for v in range(16):
                pltpu.async_copy(table_hbm.at[pl.ds(vec[v], 1)],
                                 buf.at[pl.ds(j0 + v, 1)], sem)

        vec = idx_v[pl.ds(base + SEQ - 16, 16)]
        for v in range(8, 16):
            pltpu.async_copy(table_hbm.at[pl.ds(vec[v], 1)],
                             buf.at[pl.ds(SEQ - 16 + v, 1)], sem)

    def drain_gather(buf, sem):
        pltpu.make_async_copy(table_hbm.at[pl.ds(0, SEQ)], buf, sem).wait()

    def out_slice(b):
        return out_hbm.at[b_base + b]

    issue(0, rows[0], gs[0])

    @pl.loop(0, B_PER_W, step=2)
    def _blk(i):
        for u in range(2):
            b = i + u

            @pl.when(b + 1 < B_PER_W)
            def _next():
                @pl.when(b >= 1)
                def _wait_sc():
                    pltpu.make_async_copy(rows[1 - u], out_slice(b - 1),
                                          ss[1 - u]).wait()
                issue(b + 1, rows[1 - u], gs[1 - u])

            drain_gather(rows[u], gs[u])
            pltpu.async_copy(rows[u], out_slice(b), ss[u])

    pltpu.make_async_copy(rows[0], out_slice(B_PER_W - 2), ss[0]).wait()
    pltpu.make_async_copy(rows[1], out_slice(B_PER_W - 1), ss[1]).wait()


@jax.jit
def _sc_gather(xf, table):
    mesh = plsc.VectorSubcoreMesh(core_axis_name="c", subcore_axis_name="s")
    return pl.kernel(
        _gather_body,
        out_type=jax.ShapeDtypeStruct((BATCH, SEQ, D), jnp.float32),
        mesh=mesh,
        scratch_types=(
            [pltpu.VMEM((PER_W,), jnp.int32)]
            + [pltpu.VMEM((SEQ, D), jnp.float32) for _ in range(2)]
            + [pltpu.SemaphoreType.DMA for _ in range(4)]
        ),
        compiler_params=pltpu.CompilerParams(use_tc_tiling_on_sc=True),
    )(xf, table)


def kernel(x, table):
    return _sc_gather(x.reshape(N), table)

# --- scband reference (transcript-rebuilt; emitter-appended) ---
"""Pipeline reference for scband-truth-embedding-13460427506062 (READ-ONLY COPY).

The authoritative reference and input builder live on the scoring server;
editing this copy changes nothing except your own understanding.
"""

import jax, jax.numpy as jnp
import numpy as np

VOCAB = 1000000
D_MODEL = 64
BATCH = 4096
SEQ = 200


def setup_inputs(seed: int = 0) -> dict:
    key = jax.random.key(seed)
    k1, k2 = jax.random.split(key)
    x = jax.random.randint(k1, (BATCH, SEQ), 0, VOCAB, dtype=jnp.int64 if jax.config.jax_enable_x64 else jnp.int32)
    table = jax.random.normal(k2, (VOCAB, D_MODEL), dtype=jnp.float32) * 0.02
    return {"x": x, "table": table}


def reference(x, table):
    # TruthEmbedding.forward with stamps=[] (empty list -> stamp loop is a no-op)
    # and intention_level=1.0 -> noise_scale = 0.1*(1-1.0) = 0, noise term vanishes.
    emb = jnp.take(table, x, axis=0)  # embedding lookup: [B, S, d_model]
    intention_level = 1.0
    noise_scale = 0.1 * (1.0 - intention_level)
    emb = emb + jnp.zeros_like(emb) * noise_scale
    return emb

if __name__ == "__main__":
    import jax
    _d = setup_inputs()
    print(jax.jit(kernel)(*tuple(_d.values())))

</pallas_src>

<mosaic_0001>
#map = affine_map<(d0, d1) -> (0)>
#map1 = affine_map<(d0, d1) -> (0, 0)>
#map2 = affine_map<(d0, d1) -> (0, 0, 0)>
module attributes {stable_mosaic.version = 14 : i64} {
  func.func @_gather_body(%arg0: i32, %arg1: i32, %arg2: memref<819200xi32, #tpu.memory_space<hbm>>, %arg3: memref<1000000x64xf32, #tpu.memory_space<hbm>>, %arg4: memref<4096x200x64xf32, #tpu.memory_space<hbm>>, %arg5: memref<25600xi32, #tpu.memory_space<vmem>>, %arg6: memref<200x64xf32, #tpu.memory_space<vmem>>, %arg7: memref<200x64xf32, #tpu.memory_space<vmem>>, %arg8: memref<!tpu.dma_semaphore, #tpu.memory_space<semaphore_mem>>, %arg9: memref<!tpu.dma_semaphore, #tpu.memory_space<semaphore_mem>>, %arg10: memref<!tpu.dma_semaphore, #tpu.memory_space<semaphore_mem>>, %arg11: memref<!tpu.dma_semaphore, #tpu.memory_space<semaphore_mem>>) attributes {dimension_semantics = [#tpu.dimension_semantics<core_parallel>, #tpu.dimension_semantics<subcore_parallel>], iteration_bounds = array<i64: 2, 16>, scalar_prefetch = 0 : i64, scratch_operands = 7 : i64, tpu.core_type = #tpu.core_type<sc_vector_subcore>, window_params = [{transform_indices = #map}, {transform_indices = #map1}, {transform_indices = #map2}]} {
    %mul3A = arith.constant 2 : i32
    %mul3A_0 = arith.muli %arg1, %mul3A : i32
    %add3A = arith.addi %mul3A_0, %arg0 : i32
    %mul3A_1 = arith.constant 128 : i32
    %mul3A_2 = arith.muli %add3A, %mul3A_1 : i32
    %mul3A_3 = arith.constant 25600 : i32
    %mul3A_4 = arith.muli %add3A, %mul3A_3 : i32
    "tpu.region"() ({
      %run_scoped3A = tpu.sem_alloc : memref<!tpu.dma_semaphore, #tpu.memory_space<semaphore_mem>>
      %dma_start3A_128 = tpu.memref_slice %arg2[%mul3A_4] : memref<819200xi32, #tpu.memory_space<hbm>> -> memref<25600xi32, #tpu.memory_space<hbm>>
      %dma_start3A_129 = tpu.memref_slice %arg2[%mul3A_4] : memref<819200xi32, #tpu.memory_space<hbm>> -> memref<25600xi32, #tpu.memory_space<hbm>>
      tpu.enqueue_dma source(%dma_start3A_129 : memref<25600xi32, #tpu.memory_space<hbm>>) target(%arg5 : memref<25600xi32, #tpu.memory_space<vmem>>) target_semaphore(%run_scoped3A : memref<!tpu.dma_semaphore, #tpu.memory_space<semaphore_mem>>)
      %dma_wait3A_130 = tpu.memref_slice %arg2[%mul3A_4] : memref<819200xi32, #tpu.memory_space<hbm>> -> memref<25600xi32, #tpu.memory_space<hbm>>
      %dma_wait3A_131 = tpu.memref_slice %arg2[%mul3A_4] : memref<819200xi32, #tpu.memory_space<hbm>> -> memref<25600xi32, #tpu.memory_space<hbm>>
      tpu.wait_dma2 semaphore(%run_scoped3A : memref<!tpu.dma_semaphore, #tpu.memory_space<semaphore_mem>>) src(%dma_wait3A_131 : memref<25600xi32, #tpu.memory_space<hbm>>) dst(%arg5 : memref<25600xi32, #tpu.memory_space<vmem>>)
      tpu.yield
    }) : () -> ()
    %scan3A = arith.constant 0 : i32
    %scan3A_5 = arith.constant 12 : i32
    %scan3A_6 = arith.addi %scan3A, %scan3A_5 : i32
    %scan3A_7 = arith.constant 1 : i32
    scf.for %scan3A_128 = %scan3A to %scan3A_6 step %scan3A_7  : i32 {
      %mul3A_129 = arith.constant 16 : i32
      %mul3A_130 = arith.muli %scan3A_128, %mul3A_129 : i32
      %add3A_131 = arith.constant 0 : i32
      %add3A_132 = arith.addi %add3A_131, %mul3A_130 : i32
      %add3A_133 = arith.constant 0 : i32
      %add3A_134 = arith.addi %add3A_133, %add3A_132 : i32
      %get3A_135 = arith.index_cast %add3A_134 : i32 to index
      %get3A_136 = tpu.vector_load %arg5[%get3A_135] {strides = array<i32>} : memref<25600xi32, #tpu.memory_space<vmem>>, vector<16xi32>,
      %get3A_137 = vector.shape_cast %get3A_136 : vector<16xi32> to vector<16xi32>
      %slice3A_138 = vector.extract_strided_slice %get3A_137 {offsets = [0], sizes = [1], strides = [1]} : vector<16xi32> to vector<1xi32>
      %squeeze3A_139 = vector.extract %slice3A_138[0] : i32 from vector<1xi32>
      %add3A_140 = arith.constant 0 : i32
      %add3A_141 = arith.addi %add3A_132, %add3A_140 : i32
      %dma_start3A_142 = arith.constant 0 : i32
      %dma_start3A_143 = tpu.memref_slice %arg6[%add3A_141, %dma_start3A_142] : memref<200x64xf32, #tpu.memory_space<vmem>> -> memref<1x64xf32, #tpu.memory_space<vmem>>
      %dma_start3A_144 = arith.constant 0 : i32
      %dma_start3A_145 = tpu.memref_slice %arg3[%squeeze3A_139, %dma_start3A_144] : memref<1000000x64xf32, #tpu.memory_space<hbm>> -> memref<1x64xf32, #tpu.memory_space<hbm>>
      %dma_start3A_146 = arith.constant 0 : i32
      %dma_start3A_147 = tpu.memref_slice %arg6[%add3A_141, %dma_start3A_146] : memref<200x64xf32, #tpu.memory_space<vmem>> -> memref<1x64xf32, #tpu.memory_space<vmem>>
      %dma_start3A_148 = arith.constant 0 : i32
      %dma_start3A_149 = tpu.memref_slice %arg3[%squeeze3A_139, %dma_start3A_148] : memref<1000000x64xf32, #tpu.memory_space<hbm>> -> memref<1x64xf32, #tpu.memory_space<hbm>>
      tpu.enqueue_dma source(%dma_start3A_149 : memref<1x64xf32, #tpu.memory_space<hbm>>) target(%dma_start3A_147 : memref<1x64xf32, #tpu.memory_space<vmem>>) target_semaphore(%arg8 : memref<!tpu.dma_semaphore, #tpu.memory_space<semaphore_mem>>)
      %slice3A_150 = vector.extract_strided_slice %get3A_137 {offsets = [1], sizes = [1], strides = [1]} : vector<16xi32> to vector<1xi32>
      %squeeze3A_151 = vector.extract %slice3A_150[0] : i32 from vector<1xi32>
      %add3A_152 = arith.constant 1 : i32
      %add3A_153 = arith.addi %add3A_132, %add3A_152 : i32
      %dma_start3A_154 = arith.constant 0 : i32
      %dma_start3A_155 = tpu.memref_slice %arg6[%add3A_153, %dma_start3A_154] : memref<200x64xf32, #tpu.memory_space<vmem>> -> memref<1x64xf32, #tpu.memory_space<vmem>>
      %dma_start3A_156 = arith.constant 0 : i32
      %dma_start3A_157 = tpu.memref_slice %arg3[%squeeze3A_151, %dma_start3A_156] : memref<1000000x64xf32, #tpu.memory_space<hbm>> -> memref<1x64xf32, #tpu.memory_space<hbm>>
      %dma_start3A_158 = arith.constant 0 : i32
      %dma_start3A_159 = tpu.memref_slice %arg6[%add3A_153, %dma_start3A_158] : memref<200x64xf32, #tpu.memory_space<vmem>> -> memref<1x64xf32, #tpu.memory_space<vmem>>
      %dma_start3A_160 = arith.constant 0 : i32
      %dma_start3A_161 = tpu.memref_slice %arg3[%squeeze3A_151, %dma_start3A_160] : memref<1000000x64xf32, #tpu.memory_space<hbm>> -> memref<1x64xf32, #tpu.memory_space<hbm>>
      tpu.enqueue_dma source(%dma_start3A_161 : memref<1x64xf32, #tpu.memory_space<hbm>>) target(%dma_start3A_159 : memref<1x64xf32, #tpu.memory_space<vmem>>) target_semaphore(%arg8 : memref<!tpu.dma_semaphore, #tpu.memory_space<semaphore_mem>>)
      %slice3A_162 = vector.extract_strided_slice %get3A_137 {offsets = [2], sizes = [1], strides = [1]} : vector<16xi32> to vector<1xi32>
      %squeeze3A_163 = vector.extract %slice3A_162[0] : i32 from vector<1xi32>
      %add3A_164 = arith.constant 2 : i32
      %add3A_165 = arith.addi %add3A_132, %add3A_164 : i32
      %dma_start3A_166 = arith.constant 0 : i32
      %dma_start3A_167 = tpu.memref_slice %arg6[%add3A_165, %dma_start3A_166] : memref<200x64xf32, #tpu.memory_space<vmem>> -> memref<1x64xf32, #tpu.memory_space<vmem>>
      %dma_start3A_168 = arith.constant 0 : i32
      %dma_start3A_169 = tpu.memref_slice %arg3[%squeeze3A_163, %dma_start3A_168] : memref<1000000x64xf32, #tpu.memory_space<hbm>> -> memref<1x64xf32, #tpu.memory_space<hbm>>
      %dma_start3A_170 = arith.constant 0 : i32
      %dma_start3A_171 = tpu.memref_slice %arg6[%add3A_165, %dma_start3A_170] : memref<200x64xf32, #tpu.memory_space<vmem>> -> memref<1x64xf32, #tpu.memory_space<vmem>>
      %dma_start3A_172 = arith.constant 0 : i32
      %dma_start3A_173 = tpu.memref_slice %arg3[%squeeze3A_163, %dma_start3A_172] : memref<1000000x64xf32, #tpu.memory_space<hbm>> -> memref<1x64xf32, #tpu.memory_space<hbm>>
      tpu.enqueue_dma source(%dma_start3A_173 : memref<1x64xf32, #tpu.memory_space<hbm>>) target(%dma_start3A_171 : memref<1x64xf32, #tpu.memory_space<vmem>>) target_semaphore(%arg8 : memref<!tpu.dma_semaphore, #tpu.memory_space<semaphore_mem>>)
      %slice3A_174 = vector.extract_strided_slice %get3A_137 {offsets = [3], sizes = [1], strides = [1]} : vector<16xi32> to vector<1xi32>
      %squeeze3A_175 = vector.extract %slice3A_174[0] : i32 from vector<1xi32>
      %add3A_176 = arith.constant 3 : i32
      %add3A_177 = arith.addi %add3A_132, %add3A_176 : i32
      %dma_start3A_178 = arith.constant 0 : i32
      %dma_start3A_179 = tpu.memref_slice %arg6[%add3A_177, %dma_start3A_178] : memref<200x64xf32, #tpu.memory_space<vmem>> -> memref<1x64xf32, #tpu.memory_space<vmem>>
      %dma_start3A_180 = arith.constant 0 : i32
      %dma_start3A_181 = tpu.memref_slice %arg3[%squeeze3A_175, %dma_start3A_180] : memref<1000000x64xf32, #tpu.memory_space<hbm>> -> memref<1x64xf32, #tpu.memory_space<hbm>>
      %dma_start3A_182 = arith.constant 0 : i32
      %dma_start3A_183 = tpu.memref_slice %arg6[%add3A_177, %dma_start3A_182] : memref<200x64xf32, #tpu.memory_space<vmem>> -> memref<1x64xf32, #tpu.memory_space<vmem>>
      %dma_start3A_184 = arith.constant 0 : i32
      %dma_start3A_185 = tpu.memref_slice %arg3[%squeeze3A_175, %dma_start3A_184] : memref<1000000x64xf32, #tpu.memory_space<hbm>> -> memref<1x64xf32, #tpu.memory_space<hbm>>
      tpu.enqueue_dma source(%dma_start3A_185 : memref<1x64xf32, #tpu.memory_space<hbm>>) target(%dma_start3A_183 : memref<1x64xf32, #tpu.memory_space<vmem>>) target_semaphore(%arg8 : memref<!tpu.dma_semaphore, #tpu.memory_space<semaphore_mem>>)
      %slice3A_186 = vector.extract_strided_slice %get3A_137 {offsets = [4], sizes = [1], strides = [1]} : vector<16xi32> to vector<1xi32>
      %squeeze3A_187 = vector.extract %slice3A_186[0] : i32 from vector<1xi32>
      %add3A_188 = arith.constant 4 : i32
      %add3A_189 = arith.addi %add3A_132, %add3A_188 : i32
      %dma_start3A_190 = arith.constant 0 : i32
      %dma_start3A_191 = tpu.memref_slice %arg6[%add3A_189, %dma_start3A_190] : memref<200x64xf32, #tpu.memory_space<vmem>> -> memref<1x64xf32, #tpu.memory_space<vmem>>
      %dma_start3A_192 = arith.constant 0 : i32
      %dma_start3A_193 = tpu.memref_slice %arg3[%squeeze3A_187, %dma_start3A_192] : memref<1000000x64xf32, #tpu.memory_space<hbm>> -> memref<1x64xf32, #tpu.memory_space<hbm>>
      %dma_start3A_194 = arith.constant 0 : i32
      %dma_start3A_195 = tpu.memref_slice %arg6[%add3A_189, %dma_start3A_194] : memref<200x64xf32, #tpu.memory_space<vmem>> -> memref<1x64xf32, #tpu.memory_space<vmem>>
      %dma_start3A_196 = arith.constant 0 : i32
      %dma_start3A_197 = tpu.memref_slice %arg3[%squeeze3A_187, %dma_start3A_196] : memref<1000000x64xf32, #tpu.memory_space<hbm>> -> memref<1x64xf32, #tpu.memory_space<hbm>>
      tpu.enqueue_dma source(%dma_start3A_197 : memref<1x64xf32, #tpu.memory_space<hbm>>) target(%dma_start3A_195 : memref<1x64xf32, #tpu.memory_space<vmem>>) target_semaphore(%arg8 : memref<!tpu.dma_semaphore, #tpu.memory_space<semaphore_mem>>)
      %slice3A_198 = vector.extract_strided_slice %get3A_137 {offsets = [5], sizes = [1], strides = [1]} : vector<16xi32> to vector<1xi32>
      %squeeze3A_199 = vector.extract %slice3A_198[0] : i32 from vector<1xi32>
      %add3A_200 = arith.constant 5 : i32
      %add3A_201 = arith.addi %add3A_132, %add3A_200 : i32
      %dma_start3A_202 = arith.constant 0 : i32
      %dma_start3A_203 = tpu.memref_slice %arg6[%add3A_201, %dma_start3A_202] : memref<200x64xf32, #tpu.memory_space<vmem>> -> memref<1x64xf32, #tpu.memory_space<vmem>>
      %dma_start3A_204 = arith.constant 0 : i32
      %dma_start3A_205 = tpu.memref_slice %arg3[%squeeze3A_199, %dma_start3A_204] : memref<1000000x64xf32, #tpu.memory_space<hbm>> -> memref<1x64xf32, #tpu.memory_space<hbm>>
      %dma_start3A_206 = arith.constant 0 : i32
      %dma_start3A_207 = tpu.memref_slice %arg6[%add3A_201, %dma_start3A_206] : memref<200x64xf32, #tpu.memory_space<vmem>> -> memref<1x64xf32, #tpu.memory_space<vmem>>
      %dma_start3A_208 = arith.constant 0 : i32
      %dma_start3A_209 = tpu.memref_slice %arg3[%squeeze3A_199, %dma_start3A_208] : memref<1000000x64xf32, #tpu.memory_space<hbm>> -> memref<1x64xf32, #tpu.memory_space<hbm>>
      tpu.enqueue_dma source(%dma_start3A_209 : memref<1x64xf32, #tpu.memory_space<hbm>>) target(%dma_start3A_207 : memref<1x64xf32, #tpu.memory_space<vmem>>) target_semaphore(%arg8 : memref<!tpu.dma_semaphore, #tpu.memory_space<semaphore_mem>>)
      %slice3A_210 = vector.extract_strided_slice %get3A_137 {offsets = [6], sizes = [1], strides = [1]} : vector<16xi32> to vector<1xi32>
      %squeeze3A_211 = vector.extract %slice3A_210[0] : i32 from vector<1xi32>
      %add3A_212 = arith.constant 6 : i32
      %add3A_213 = arith.addi %add3A_132, %add3A_212 : i32
      %dma_start3A_214 = arith.constant 0 : i32
      %dma_start3A_215 = tpu.memref_slice %arg6[%add3A_213, %dma_start3A_214] : memref<200x64xf32, #tpu.memory_space<vmem>> -> memref<1x64xf32, #tpu.memory_space<vmem>>
      %dma_start3A_216 = arith.constant 0 : i32
      %dma_start3A_217 = tpu.memref_slice %arg3[%squeeze3A_211, %dma_start3A_216] : memref<1000000x64xf32, #tpu.memory_space<hbm>> -> memref<1x64xf32, #tpu.memory_space<hbm>>
      %dma_start3A_218 = arith.constant 0 : i32
      %dma_start3A_219 = tpu.memref_slice %arg6[%add3A_213, %dma_start3A_218] : memref<200x64xf32, #tpu.memory_space<vmem>> -> memref<1x64xf32, #tpu.memory_space<vmem>>
      %dma_start3A_220 = arith.constant 0 : i32
      %dma_start3A_221 = tpu.memref_slice %arg3[%squeeze3A_211, %dma_start3A_220] : memref<1000000x64xf32, #tpu.memory_space<hbm>> -> memref<1x64xf32, #tpu.memory_space<hbm>>
      tpu.enqueue_dma source(%dma_start3A_221 : memref<1x64xf32, #tpu.memory_space<hbm>>) target(%dma_start3A_219 : memref<1x64xf32, #tpu.memory_space<vmem>>) target_semaphore(%arg8 : memref<!tpu.dma_semaphore, #tpu.memory_space<semaphore_mem>>)
      %slice3A_222 = vector.extract_strided_slice %get3A_137 {offsets = [7], sizes = [1], strides = [1]} : vector<16xi32> to vector<1xi32>
      %squeeze3A_223 = vector.extract %slice3A_222[0] : i32 from vector<1xi32>
      %add3A_224 = arith.constant 7 : i32
      %add3A_225 = arith.addi %add3A_132, %add3A_224 : i32
      %dma_start3A_226 = arith.constant 0 : i32
      %dma_start3A_227 = tpu.memref_slice %arg6[%add3A_225, %dma_start3A_226] : memref<200x64xf32, #tpu.memory_space<vmem>> -> memref<1x64xf32, #tpu.memory_space<vmem>>
      %dma_start3A_228 = arith.constant 0 : i32
      %dma_start3A_229 = tpu.memref_slice %arg3[%squeeze3A_223, %dma_start3A_228] : memref<1000000x64xf32, #tpu.memory_space<hbm>> -> memref<1x64xf32, #tpu.memory_space<hbm>>
      %dma_start3A_230 = arith.constant 0 : i32
      %dma_start3A_231 = tpu.memref_slice %arg6[%add3A_225, %dma_start3A_230] : memref<200x64xf32, #tpu.memory_space<vmem>> -> memref<1x64xf32, #tpu.memory_space<vmem>>
      %dma_start3A_232 = arith.constant 0 : i32
      %dma_start3A_233 = tpu.memref_slice %arg3[%squeeze3A_223, %dma_start3A_232] : memref<1000000x64xf32, #tpu.memory_space<hbm>> -> memref<1x64xf32, #tpu.memory_space<hbm>>
      tpu.enqueue_dma source(%dma_start3A_233 : memref<1x64xf32, #tpu.memory_space<hbm>>) target(%dma_start3A_231 : memref<1x64xf32, #tpu.memory_space<vmem>>) target_semaphore(%arg8 : memref<!tpu.dma_semaphore, #tpu.memory_space<semaphore_mem>>)
      %slice3A_234 = vector.extract_strided_slice %get3A_137 {offsets = [8], sizes = [1], strides = [1]} : vector<16xi32> to vector<1xi32>
      %squeeze3A_235 = vector.extract %slice3A_234[0] : i32 from vector<1xi32>
      %add3A_236 = arith.constant 8 : i32
      %add3A_237 = arith.addi %add3A_132, %add3A_236 : i32
      %dma_start3A_238 = arith.constant 0 : i32
      %dma_start3A_239 = tpu.memref_slice %arg6[%add3A_237, %dma_start3A_238] : memref<200x64xf32, #tpu.memory_space<vmem>> -> memref<1x64xf32, #tpu.memory_space<vmem>>
      %dma_start3A_240 = arith.constant 0 : i32
      %dma_start3A_241 = tpu.memref_slice %arg3[%squeeze3A_235, %dma_start3A_240] : memref<1000000x64xf32, #tpu.memory_space<hbm>> -> memref<1x64xf32, #tpu.memory_space<hbm>>
      %dma_start3A_242 = arith.constant 0 : i32
      %dma_start3A_243 = tpu.memref_slice %arg6[%add3A_237, %dma_start3A_242] : memref<200x64xf32, #tpu.memory_space<vmem>> -> memref<1x64xf32, #tpu.memory_space<vmem>>
      %dma_start3A_244 = arith.constant 0 : i32
      %dma_start3A_245 = tpu.memref_slice %arg3[%squeeze3A_235, %dma_start3A_244] : memref<1000000x64xf32, #tpu.memory_space<hbm>> -> memref<1x64xf32, #tpu.memory_space<hbm>>
      tpu.enqueue_dma source(%dma_start3A_245 : memref<1x64xf32, #tpu.memory_space<hbm>>) target(%dma_start3A_243 : memref<1x64xf32, #tpu.memory_space<vmem>>) target_semaphore(%arg8 : memref<!tpu.dma_semaphore, #tpu.memory_space<semaphore_mem>>)
      %slice3A_246 = vector.extract_strided_slice %get3A_137 {offsets = [9], sizes = [1], strides = [1]} : vector<16xi32> to vector<1xi32>
      %squeeze3A_247 = vector.extract %slice3A_246[0] : i32 from vector<1xi32>
      %add3A_248 = arith.constant 9 : i32
      %add3A_249 = arith.addi %add3A_132, %add3A_248 : i32
      %dma_start3A_250 = arith.constant 0 : i32
      %dma_start3A_251 = tpu.memref_slice %arg6[%add3A_249, %dma_start3A_250] : memref<200x64xf32, #tpu.memory_space<vmem>> -> memref<1x64xf32, #tpu.memory_space<vmem>>
      %dma_start3A_252 = arith.constant 0 : i32
      %dma_start3A_253 = tpu.memref_slice %arg3[%squeeze3A_247, %dma_start3A_252] : memref<1000000x64xf32, #tpu.memory_space<hbm>> -> memref<1x64xf32, #tpu.memory_space<hbm>>
      %dma_start3A_254 = arith.constant 0 : i32
      %dma_start3A_255 = tpu.memref_slice %arg6[%add3A_249, %dma_start3A_254] : memref<200x64xf32, #tpu.memory_space<vmem>> -> memref<1x64xf32, #tpu.memory_space<vmem>>
      %dma_start3A_256 = arith.constant 0 : i32
      %dma_start3A_257 = tpu.memref_slice %arg3[%squeeze3A_247, %dma_start3A_256] : memref<1000000x64xf32, #tpu.memory_space<hbm>> -> memref<1x64xf32, #tpu.memory_space<hbm>>
      tpu.enqueue_dma source(%dma_start3A_257 : memref<1x64xf32, #tpu.memory_space<hbm>>) target(%dma_start3A_255 : memref<1x64xf32, #tpu.memory_space<vmem>>) target_semaphore(%arg8 : memref<!tpu.dma_semaphore, #tpu.memory_space<semaphore_mem>>)
      %slice3A_258 = vector.extract_strided_slice %get3A_137 {offsets = [10], sizes = [1], strides = [1]} : vector<16xi32> to vector<1xi32>
      %squeeze3A_259 = vector.extract %slice3A_258[0] : i32 from vector<1xi32>
      %add3A_260 = arith.constant 10 : i32
      %add3A_261 = arith.addi %add3A_132, %add3A_260 : i32
      %dma_start3A_262 = arith.constant 0 : i32
      %dma_start3A_263 = tpu.memref_slice %arg6[%add3A_261, %dma_start3A_262] : memref<200x64xf32, #tpu.memory_space<vmem>> -> memref<1x64xf32, #tpu.memory_space<vmem>>
      %dma_start3A_264 = arith.constant 0 : i32
      %dma_start3A_265 = tpu.memref_slice %arg3[%squeeze3A_259, %dma_start3A_264] : memref<1000000x64xf32, #tpu.memory_space<hbm>> -> memref<1x64xf32, #tpu.memory_space<hbm>>
      %dma_start3A_266 = arith.constant 0 : i32
      %dma_start3A_267 = tpu.memref_slice %arg6[%add3A_261, %dma_start3A_266] : memref<200x64xf32, #tpu.memory_space<vmem>> -> memref<1x64xf32, #tpu.memory_space<vmem>>
      %dma_start3A_268 = arith.constant 0 : i32
      %dma_start3A_269 = tpu.memref_slice %arg3[%squeeze3A_259, %dma_start3A_268] : memref<1000000x64xf32, #tpu.memory_space<hbm>> -> memref<1x64xf32, #tpu.memory_space<hbm>>
      tpu.enqueue_dma source(%dma_start3A_269 : memref<1x64xf32, #tpu.memory_space<hbm>>) target(%dma_start3A_267 : memref<1x64xf32, #tpu.memory_space<vmem>>) target_semaphore(%arg8 : memref<!tpu.dma_semaphore, #tpu.memory_space<semaphore_mem>>)
      %slice3A_270 = vector.extract_strided_slice %get3A_137 {offsets = [11], sizes = [1], strides = [1]} : vector<16xi32> to vector<1xi32>
      %squeeze3A_271 = vector.extract %slice3A_270[0] : i32 from vector<1xi32>
      %add3A_272 = arith.constant 11 : i32
      %add3A_273 = arith.addi %add3A_132, %add3A_272 : i32
      %dma_start3A_274 = arith.constant 0 : i32
      %dma_start3A_275 = tpu.memref_slice %arg6[%add3A_273, %dma_start3A_274] : memref<200x64xf32, #tpu.memory_space<vmem>> -> memref<1x64xf32, #tpu.memory_space<vmem>>
      %dma_start3A_276 = arith.constant 0 : i32
      %dma_start3A_277 = tpu.memref_slice %arg3[%squeeze3A_271, %dma_start3A_276] : memref<1000000x64xf32, #tpu.memory_space<hbm>> -> memref<1x64xf32, #tpu.memory_space<hbm>>
      %dma_start3A_278 = arith.constant 0 : i32
      %dma_start3A_279 = tpu.memref_slice %arg6[%add3A_273, %dma_start3A_278] : memref<200x64xf32, #tpu.memory_space<vmem>> -> memref<1x64xf32, #tpu.memory_space<vmem>>
      %dma_start3A_280 = arith.constant 0 : i32
      %dma_start3A_281 = tpu.memref_slice %arg3[%squeeze3A_271, %dma_start3A_280] : memref<1000000x64xf32, #tpu.memory_space<hbm>> -> memref<1x64xf32, #tpu.memory_space<hbm>>
      tpu.enqueue_dma source(%dma_start3A_281 : memref<1x64xf32, #tpu.memory_space<hbm>>) target(%dma_start3A_279 : memref<1x64xf32, #tpu.memory_space<vmem>>) target_semaphore(%arg8 : memref<!tpu.dma_semaphore, #tpu.memory_space<semaphore_mem>>)
      %slice3A_282 = vector.extract_strided_slice %get3A_137 {offsets = [12], sizes = [1], strides = [1]} : vector<16xi32> to vector<1xi32>
      %squeeze3A_283 = vector.extract %slice3A_282[0] : i32 from vector<1xi32>
      %add3A_284 = arith.constant 12 : i32
      %add3A_285 = arith.addi %add3A_132, %add3A_284 : i32
      %dma_start3A_286 = arith.constant 0 : i32
      %dma_start3A_287 = tpu.memref_slice %arg6[%add3A_285, %dma_start3A_286] : memref<200x64xf32, #tpu.memory_space<vmem>> -> memref<1x64xf32, #tpu.memory_space<vmem>>
      %dma_start3A_288 = arith.constant 0 : i32
      %dma_start3A_289 = tpu.memref_slice %arg3[%squeeze3A_283, %dma_start3A_288] : memref<1000000x64xf32, #tpu.memory_space<hbm>> -> memref<1x64xf32, #tpu.memory_space<hbm>>
      %dma_start3A_290 = arith.constant 0 : i32
      %dma_start3A_291 = tpu.memref_slice %arg6[%add3A_285, %dma_start3A_290] : memref<200x64xf32, #tpu.memory_space<vmem>> -> memref<1x64xf32, #tpu.memory_space<vmem>>
      %dma_start3A_292 = arith.constant 0 : i32
      %dma_start3A_293 = tpu.memref_slice %arg3[%squeeze3A_283, %dma_start3A_292] : memref<1000000x64xf32, #tpu.memory_space<hbm>> -> memref<1x64xf32, #tpu.memory_space<hbm>>
      tpu.enqueue_dma source(%dma_start3A_293 : memref<1x64xf32, #tpu.memory_space<hbm>>) target(%dma_start3A_291 : memref<1x64xf32, #tpu.memory_space<vmem>>) target_semaphore(%arg8 : memref<!tpu.dma_semaphore, #tpu.memory_space<semaphore_mem>>)
      %slice3A_294 = vector.extract_strided_slice %get3A_137 {offsets = [13], sizes = [1], strides = [1]} : vector<16xi32> to vector<1xi32>
      %squeeze3A_295 = vector.extract %slice3A_294[0] : i32 from vector<1xi32>
      %add3A_296 = arith.constant 13 : i32
      %add3A_297 = arith.addi %add3A_132, %add3A_296 : i32
      %dma_start3A_298 = arith.constant 0 : i32
      %dma_start3A_299 = tpu.memref_slice %arg6[%add3A_297, %dma_start3A_298] : memref<200x64xf32, #tpu.memory_space<vmem>> -> memref<1x64xf32, #tpu.memory_space<vmem>>
      %dma_start3A_300 = arith.constant 0 : i32
      %dma_start3A_301 = tpu.memref_slice %arg3[%squeeze3A_295, %dma_start3A_300] : memref<1000000x64xf32, #tpu.memory_space<hbm>> -> memref<1x64xf32, #tpu.memory_space<hbm>>
      %dma_start3A_302 = arith.constant 0 : i32
      %dma_start3A_303 = tpu.memref_slice %arg6[%add3A_297, %dma_start3A_302] : memref<200x64xf32, #tpu.memory_space<vmem>> -> memref<1x64xf32, #tpu.memory_space<vmem>>
      %dma_start3A_304 = arith.constant 0 : i32
      %dma_start3A_305 = tpu.memref_slice %arg3[%squeeze3A_295, %dma_start3A_304] : memref<1000000x64xf32, #tpu.memory_space<hbm>> -> memref<1x64xf32, #tpu.memory_space<hbm>>
      tpu.enqueue_dma source(%dma_start3A_305 : memref<1x64xf32, #tpu.memory_space<hbm>>) target(%dma_start3A_303 : memref<1x64xf32, #tpu.memory_space<vmem>>) target_semaphore(%arg8 : memref<!tpu.dma_semaphore, #tpu.memory_space<semaphore_mem>>)
      %slice3A_306 = vector.extract_strided_slice %get3A_137 {offsets = [14], sizes = [1], strides = [1]} : vector<16xi32> to vector<1xi32>
      %squeeze3A_307 = vector.extract %slice3A_306[0] : i32 from vector<1xi32>
      %add3A_308 = arith.constant 14 : i32
      %add3A_309 = arith.addi %add3A_132, %add3A_308 : i32
      %dma_start3A_310 = arith.constant 0 : i32
      %dma_start3A_311 = tpu.memref_slice %arg6[%add3A_309, %dma_start3A_310] : memref<200x64xf32, #tpu.memory_space<vmem>> -> memref<1x64xf32, #tpu.memory_space<vmem>>
      %dma_start3A_312 = arith.constant 0 : i32
      %dma_start3A_313 = tpu.memref_slice %arg3[%squeeze3A_307, %dma_start3A_312] : memref<1000000x64xf32, #tpu.memory_space<hbm>> -> memref<1x64xf32, #tpu.memory_space<hbm>>
      %dma_start3A_314 = arith.constant 0 : i32
      %dma_start3A_315 = tpu.memref_slice %arg6[%add3A_309, %dma_start3A_314] : memref<200x64xf32, #tpu.memory_space<vmem>> -> memref<1x64xf32, #tpu.memory_space<vmem>>
      %dma_start3A_316 = arith.constant 0 : i32
      %dma_start3A_317 = tpu.memref_slice %arg3[%squeeze3A_307, %dma_start3A_316] : memref<1000000x64xf32, #tpu.memory_space<hbm>> -> memref<1x64xf32, #tpu.memory_space<hbm>>
      tpu.enqueue_dma source(%dma_start3A_317 : memref<1x64xf32, #tpu.memory_space<hbm>>) target(%dma_start3A_315 : memref<1x64xf32, #tpu.memory_space<vmem>>) target_semaphore(%arg8 : memref<!tpu.dma_semaphore, #tpu.memory_space<semaphore_mem>>)
      %slice3A_318 = vector.extract_strided_slice %get3A_137 {offsets = [15], sizes = [1], strides = [1]} : vector<16xi32> to vector<1xi32>
      %squeeze3A_319 = vector.extract %slice3A_318[0] : i32 from vector<1xi32>
      %add3A_320 = arith.constant 15 : i32
      %add3A_321 = arith.addi %add3A_132, %add3A_320 : i32
      %dma_start3A_322 = arith.constant 0 : i32
      %dma_start3A_323 = tpu.memref_slice %arg6[%add3A_321, %dma_start3A_322] : memref<200x64xf32, #tpu.memory_space<vmem>> -> memref<1x64xf32, #tpu.memory_space<vmem>>
      %dma_start3A_324 = arith.constant 0 : i32
      %dma_start3A_325 = tpu.memref_slice %arg3[%squeeze3A_319, %dma_start3A_324] : memref<1000000x64xf32, #tpu.memory_space<hbm>> -> memref<1x64xf32, #tpu.memory_space<hbm>>
      %dma_start3A_326 = arith.constant 0 : i32
      %dma_start3A_327 = tpu.memref_slice %arg6[%add3A_321, %dma_start3A_326] : memref<200x64xf32, #tpu.memory_space<vmem>> -> memref<1x64xf32, #tpu.memory_space<vmem>>
      %dma_start3A_328 = arith.constant 0 : i32
      %dma_start3A_329 = tpu.memref_slice %arg3[%squeeze3A_319, %dma_start3A_328] : memref<1000000x64xf32, #tpu.memory_space<hbm>> -> memref<1x64xf32, #tpu.memory_space<hbm>>
      tpu.enqueue_dma source(%dma_start3A_329 : memref<1x64xf32, #tpu.memory_space<hbm>>) target(%dma_start3A_327 : memref<1x64xf32, #tpu.memory_space<vmem>>) target_semaphore(%arg8 : memref<!tpu.dma_semaphore, #tpu.memory_space<semaphore_mem>>)
    }
    %scan3A_8 = arith.constant 12 : i32
    %get3A = arith.constant 184 : index
    %get3A_9 = tpu.vector_load %arg5[%get3A] {strides = array<i32>} : memref<25600xi32, #tpu.memory_space<vmem>>, vector<16xi32>,
    %get3A_10 = vector.shape_cast %get3A_9 : vector<16xi32> to vector<16xi32>
    %slice3A = vector.extract_strided_slice %get3A_10 {offsets = [8], sizes = [1], strides = [1]} : vector<16xi32> to vector<1xi32>
    %squeeze3A = vector.extract %slice3A[0] : i32 from vector<1xi32>
    %dma_start3A = arith.constant 192 : i32
    %dma_start3A_11 = arith.constant 0 : i32
    %dma_start3A_12 = tpu.memref_slice %arg6[%dma_start3A, %dma_start3A_11] : memref<200x64xf32, #tpu.memory_space<vmem>> -> memref<1x64xf32, #tpu.memory_space<vmem>>
    %dma_start3A_13 = arith.constant 0 : i32
    %dma_start3A_14 = tpu.memref_slice %arg3[%squeeze3A, %dma_start3A_13] : memref<1000000x64xf32, #tpu.memory_space<hbm>> -> memref<1x64xf32, #tpu.memory_space<hbm>>
    %dma_start3A_15 = arith.constant 192 : i32
    %dma_start3A_16 = arith.constant 0 : i32
    %dma_start3A_17 = tpu.memref_slice %arg6[%dma_start3A_15, %dma_start3A_16] : memref<200x64xf32, #tpu.memory_space<vmem>> -> memref<1x64xf32, #tpu.memory_space<vmem>>
    %dma_start3A_18 = arith.constant 0 : i32
    %dma_start3A_19 = tpu.memref_slice %arg3[%squeeze3A, %dma_start3A_18] : memref<1000000x64xf32, #tpu.memory_space<hbm>> -> memref<1x64xf32, #tpu.memory_space<hbm>>
    tpu.enqueue_dma source(%dma_start3A_19 : memref<1x64xf32, #tpu.memory_space<hbm>>) target(%dma_start3A_17 : memref<1x64xf32, #tpu.memory_space<vmem>>) target_semaphore(%arg8 : memref<!tpu.dma_semaphore, #tpu.memory_space<semaphore_mem>>)
    %slice3A_20 = vector.extract_strided_slice %get3A_10 {offsets = [9], sizes = [1], strides = [1]} : vector<16xi32> to vector<1xi32>
    %squeeze3A_21 = vector.extract %slice3A_20[0] : i32 from vector<1xi32>
    %dma_start3A_22 = arith.constant 193 : i32
    %dma_start3A_23 = arith.constant 0 : i32
    %dma_start3A_24 = tpu.memref_slice %arg6[%dma_start3A_22, %dma_start3A_23] : memref<200x64xf32, #tpu.memory_space<vmem>> -> memref<1x64xf32, #tpu.memory_space<vmem>>
    %dma_start3A_25 = arith.constant 0 : i32
    %dma_start3A_26 = tpu.memref_slice %arg3[%squeeze3A_21, %dma_start3A_25] : memref<1000000x64xf32, #tpu.memory_space<hbm>> -> memref<1x64xf32, #tpu.memory_space<hbm>>
    %dma_start3A_27 = arith.constant 193 : i32
    %dma_start3A_28 = arith.constant 0 : i32
    %dma_start3A_29 = tpu.memref_slice %arg6[%dma_start3A_27, %dma_start3A_28] : memref<200x64xf32, #tpu.memory_space<vmem>> -> memref<1x64xf32, #tpu.memory_space<vmem>>
    %dma_start3A_30 = arith.constant 0 : i32
    %dma_start3A_31 = tpu.memref_slice %arg3[%squeeze3A_21, %dma_start3A_30] : memref<1000000x64xf32, #tpu.memory_space<hbm>> -> memref<1x64xf32, #tpu.memory_space<hbm>>
    tpu.enqueue_dma source(%dma_start3A_31 : memref<1x64xf32, #tpu.memory_space<hbm>>) target(%dma_start3A_29 : memref<1x64xf32, #tpu.memory_space<vmem>>) target_semaphore(%arg8 : memref<!tpu.dma_semaphore, #tpu.memory_space<semaphore_mem>>)
    %slice3A_32 = vector.extract_strided_slice %get3A_10 {offsets = [10], sizes = [1], strides = [1]} : vector<16xi32> to vector<1xi32>
    %squeeze3A_33 = vector.extract %slice3A_32[0] : i32 from vector<1xi32>
    %dma_start3A_34 = arith.constant 194 : i32
    %dma_start3A_35 = arith.constant 0 : i32
    %dma_start3A_36 = tpu.memref_slice %arg6[%dma_start3A_34, %dma_start3A_35] : memref<200x64xf32, #tpu.memory_space<vmem>> -> memref<1x64xf32, #tpu.memory_space<vmem>>
    %dma_start3A_37 = arith.constant 0 : i32
    %dma_start3A_38 = tpu.memref_slice %arg3[%squeeze3A_33, %dma_start3A_37] : memref<1000000x64xf32, #tpu.memory_space<hbm>> -> memref<1x64xf32, #tpu.memory_space<hbm>>
    %dma_start3A_39 = arith.constant 194 : i32
    %dma_start3A_40 = arith.constant 0 : i32
    %dma_start3A_41 = tpu.memref_slice %arg6[%dma_start3A_39, %dma_start3A_40] : memref<200x64xf32, #tpu.memory_space<vmem>> -> memref<1x64xf32, #tpu.memory_space<vmem>>
    %dma_start3A_42 = arith.constant 0 : i32
    %dma_start3A_43 = tpu.memref_slice %arg3[%squeeze3A_33, %dma_start3A_42] : memref<1000000x64xf32, #tpu.memory_space<hbm>> -> memref<1x64xf32, #tpu.memory_space<hbm>>
    tpu.enqueue_dma source(%dma_start3A_43 : memref<1x64xf32, #tpu.memory_space<hbm>>) target(%dma_start3A_41 : memref<1x64xf32, #tpu.memory_space<vmem>>) target_semaphore(%arg8 : memref<!tpu.dma_semaphore, #tpu.memory_space<semaphore_mem>>)
    %slice3A_44 = vector.extract_strided_slice %get3A_10 {offsets = [11], sizes = [1], strides = [1]} : vector<16xi32> to vector<1xi32>
    %squeeze3A_45 = vector.extract %slice3A_44[0] : i32 from vector<1xi32>
    %dma_start3A_46 = arith.constant 195 : i32
    %dma_start3A_47 = arith.constant 0 : i32
    %dma_start3A_48 = tpu.memref_slice %arg6[%dma_start3A_46, %dma_start3A_47] : memref<200x64xf32, #tpu.memory_space<vmem>> -> memref<1x64xf32, #tpu.memory_space<vmem>>
    %dma_start3A_49 = arith.constant 0 : i32
    %dma_start3A_50 = tpu.memref_slice %arg3[%squeeze3A_45, %dma_start3A_49] : memref<1000000x64xf32, #tpu.memory_space<hbm>> -> memref<1x64xf32, #tpu.memory_space<hbm>>
    %dma_start3A_51 = arith.constant 195 : i32
    %dma_start3A_52 = arith.constant 0 : i32
    %dma_start3A_53 = tpu.memref_slice %arg6[%dma_start3A_51, %dma_start3A_52] : memref<200x64xf32, #tpu.memory_space<vmem>> -> memref<1x64xf32, #tpu.memory_space<vmem>>
    %dma_start3A_54 = arith.constant 0 : i32
    %dma_start3A_55 = tpu.memref_slice %arg3[%squeeze3A_45, %dma_start3A_54] : memref<1000000x64xf32, #tpu.memory_space<hbm>> -> memref<1x64xf32, #tpu.memory_space<hbm>>
    tpu.enqueue_dma source(%dma_start3A_55 : memref<1x64xf32, #tpu.memory_space<hbm>>) target(%dma_start3A_53 : memref<1x64xf32, #tpu.memory_space<vmem>>) target_semaphore(%arg8 : memref<!tpu.dma_semaphore, #tpu.memory_space<semaphore_mem>>)
    %slice3A_56 = vector.extract_strided_slice %get3A_10 {offsets = [12], sizes = [1], strides = [1]} : vector<16xi32> to vector<1xi32>
    %squeeze3A_57 = vector.extract %slice3A_56[0] : i32 from vector<1xi32>
    %dma_start3A_58 = arith.constant 196 : i32
    %dma_start3A_59 = arith.constant 0 : i32
    %dma_start3A_60 = tpu.memref_slice %arg6[%dma_start3A_58, %dma_start3A_59] : memref<200x64xf32, #tpu.memory_space<vmem>> -> memref<1x64xf32, #tpu.memory_space<vmem>>
    %dma_start3A_61 = arith.constant 0 : i32
    %dma_start3A_62 = tpu.memref_slice %arg3[%squeeze3A_57, %dma_start3A_61] : memref<1000000x64xf32, #tpu.memory_space<hbm>> -> memref<1x64xf32, #tpu.memory_space<hbm>>
    %dma_start3A_63 = arith.constant 196 : i32
    %dma_start3A_64 = arith.constant 0 : i32
    %dma_start3A_65 = tpu.memref_slice %arg6[%dma_start3A_63, %dma_start3A_64] : memref<200x64xf32, #tpu.memory_space<vmem>> -> memref<1x64xf32, #tpu.memory_space<vmem>>
    %dma_start3A_66 = arith.constant 0 : i32
    %dma_start3A_67 = tpu.memref_slice %arg3[%squeeze3A_57, %dma_start3A_66] : memref<1000000x64xf32, #tpu.memory_space<hbm>> -> memref<1x64xf32, #tpu.memory_space<hbm>>
    tpu.enqueue_dma source(%dma_start3A_67 : memref<1x64xf32, #tpu.memory_space<hbm>>) target(%dma_start3A_65 : memref<1x64xf32, #tpu.memory_space<vmem>>) target_semaphore(%arg8 : memref<!tpu.dma_semaphore, #tpu.memory_space<semaphore_mem>>)
    %slice3A_68 = vector.extract_strided_slice %get3A_10 {offsets = [13], sizes = [1], strides = [1]} : vector<16xi32> to vector<1xi32>
    %squeeze3A_69 = vector.extract %slice3A_68[0] : i32 from vector<1xi32>
    %dma_start3A_70 = arith.constant 197 : i32
    %dma_start3A_71 = arith.constant 0 : i32
    %dma_start3A_72 = tpu.memref_slice %arg6[%dma_start3A_70, %dma_start3A_71] : memref<200x64xf32, #tpu.memory_space<vmem>> -> memref<1x64xf32, #tpu.memory_space<vmem>>
    %dma_start3A_73 = arith.constant 0 : i32
    %dma_start3A_74 = tpu.memref_slice %arg3[%squeeze3A_69, %dma_start3A_73] : memref<1000000x64xf32, #tpu.memory_space<hbm>> -> memref<1x64xf32, #tpu.memory_space<hbm>>
    %dma_start3A_75 = arith.constant 197 : i32
    %dma_start3A_76 = arith.constant 0 : i32
    %dma_start3A_77 = tpu.memref_slice %arg6[%dma_start3A_75, %dma_start3A_76] : memref<200x64xf32, #tpu.memory_space<vmem>> -> memref<1x64xf32, #tpu.memory_space<vmem>>
    %dma_start3A_78 = arith.constant 0 : i32
    %dma_start3A_79 = tpu.memref_slice %arg3[%squeeze3A_69, %dma_start3A_78] : memref<1000000x64xf32, #tpu.memory_space<hbm>> -> memref<1x64xf32, #tpu.memory_space<hbm>>
    tpu.enqueue_dma source(%dma_start3A_79 : memref<1x64xf32, #tpu.memory_space<hbm>>) target(%dma_start3A_77 : memref<1x64xf32, #tpu.memory_space<vmem>>) target_semaphore(%arg8 : memref<!tpu.dma_semaphore, #tpu.memory_space<semaphore_mem>>)
    %slice3A_80 = vector.extract_strided_slice %get3A_10 {offsets = [14], sizes = [1], strides = [1]} : vector<16xi32> to vector<1xi32>
    %squeeze3A_81 = vector.extract %slice3A_80[0] : i32 from vector<1xi32>
    %dma_start3A_82 = arith.constant 198 : i32
    %dma_start3A_83 = arith.constant 0 : i32
    %dma_start3A_84 = tpu.memref_slice %arg6[%dma_start3A_82, %dma_start3A_83] : memref<200x64xf32, #tpu.memory_space<vmem>> -> memref<1x64xf32, #tpu.memory_space<vmem>>
    %dma_start3A_85 = arith.constant 0 : i32
    %dma_start3A_86 = tpu.memref_slice %arg3[%squeeze3A_81, %dma_start3A_85] : memref<1000000x64xf32, #tpu.memory_space<hbm>> -> memref<1x64xf32, #tpu.memory_space<hbm>>
    %dma_start3A_87 = arith.constant 198 : i32
    %dma_start3A_88 = arith.constant 0 : i32
    %dma_start3A_89 = tpu.memref_slice %arg6[%dma_start3A_87, %dma_start3A_88] : memref<200x64xf32, #tpu.memory_space<vmem>> -> memref<1x64xf32, #tpu.memory_space<vmem>>
    %dma_start3A_90 = arith.constant 0 : i32
    %dma_start3A_91 = tpu.memref_slice %arg3[%squeeze3A_81, %dma_start3A_90] : memref<1000000x64xf32, #tpu.memory_space<hbm>> -> memref<1x64xf32, #tpu.memory_space<hbm>>
    tpu.enqueue_dma source(%dma_start3A_91 : memref<1x64xf32, #tpu.memory_space<hbm>>) target(%dma_start3A_89 : memref<1x64xf32, #tpu.memory_space<vmem>>) target_semaphore(%arg8 : memref<!tpu.dma_semaphore, #tpu.memory_space<semaphore_mem>>)
    %slice3A_92 = vector.extract_strided_slice %get3A_10 {offsets = [15], sizes = [1], strides = [1]} : vector<16xi32> to vector<1xi32>
    %squeeze3A_93 = vector.extract %slice3A_92[0] : i32 from vector<1xi32>
    %dma_start3A_94 = arith.constant 199 : i32
    %dma_start3A_95 = arith.constant 0 : i32
    %dma_start3A_96 = tpu.memref_slice %arg6[%dma_start3A_94, %dma_start3A_95] : memref<200x64xf32, #tpu.memory_space<vmem>> -> memref<1x64xf32, #tpu.memory_space<vmem>>
    %dma_start3A_97 = arith.constant 0 : i32
    %dma_start3A_98 = tpu.memref_slice %arg3[%squeeze3A_93, %dma_start3A_97] : memref<1000000x64xf32, #tpu.memory_space<hbm>> -> memref<1x64xf32, #tpu.memory_space<hbm>>
    %dma_start3A_99 = arith.constant 199 : i32
    %dma_start3A_100 = arith.constant 0 : i32
    %dma_start3A_101 = tpu.memref_slice %arg6[%dma_start3A_99, %dma_start3A_100] : memref<200x64xf32, #tpu.memory_space<vmem>> -> memref<1x64xf32, #tpu.memory_space<vmem>>
    %dma_start3A_102 = arith.constant 0 : i32
    %dma_start3A_103 = tpu.memref_slice %arg3[%squeeze3A_93, %dma_start3A_102] : memref<1000000x64xf32, #tpu.memory_space<hbm>> -> memref<1x64xf32, #tpu.memory_space<hbm>>
    tpu.enqueue_dma source(%dma_start3A_103 : memref<1x64xf32, #tpu.memory_space<hbm>>) target(%dma_start3A_101 : memref<1x64xf32, #tpu.memory_space<vmem>>) target_semaphore(%arg8 : memref<!tpu.dma_semaphore, #tpu.memory_space<semaphore_mem>>)
    %scan3A_104 = arith.constant 0 : i32
    %scan3A_105 = arith.constant 64 : i32
    %scan3A_106 = arith.addi %scan3A_104, %scan3A_105 : i32
    %scan3A_107 = arith.constant 1 : i32
    scf.for %scan3A_128 = %scan3A_104 to %scan3A_106 step %scan3A_107  : i32 {
      %mul3A_129 = arith.constant 2 : i32
      %mul3A_130 = arith.muli %scan3A_128, %mul3A_129 : i32
      %add3A_131 = arith.constant 0 : i32
      %add3A_132 = arith.addi %add3A_131, %mul3A_130 : i32
      %add3A_133 = arith.constant 0 : i32
      %add3A_134 = arith.addi %add3A_132, %add3A_133 : i32
      %add3A_135 = arith.constant 1 : i32
      %add3A_136 = arith.addi %add3A_134, %add3A_135 : i32
      %lt3A = arith.constant 128 : i32
      %lt3A_137 = arith.cmpi slt, %add3A_136, %lt3A : i32
      %convert_element_type3A = arith.extui %lt3A_137 : i1 to i32
      %cond3A = arith.constant 0 : i32
      %cond3A_138 = arith.cmpi ne, %convert_element_type3A, %cond3A : i32
      scf.if %cond3A_138 {
        %ge3A = arith.constant 1 : i32
        %ge3A_178 = arith.cmpi sge, %add3A_134, %ge3A : i32
        %convert_element_type3A_179 = arith.extui %ge3A_178 : i1 to i32
        %cond3A_180 = arith.constant 0 : i32
        %cond3A_181 = arith.cmpi ne, %convert_element_type3A_179, %cond3A_180 : i32
        scf.if %cond3A_181 {
          %sub3A_293 = arith.constant 1 : i32
          %sub3A_294 = arith.subi %add3A_134, %sub3A_293 : i32
          %add3A_295 = arith.addi %mul3A_2, %sub3A_294 : i32
          %dma_wait3A_296 = arith.constant 0 : i32
          %dma_wait3A_297 = arith.constant 0 : i32
          %dma_wait3A_298 = tpu.memref_slice %arg4[%add3A_295, %dma_wait3A_296, %dma_wait3A_297] : memref<4096x200x64xf32, #tpu.memory_space<hbm>> -> memref<1x200x64xf32, #tpu.memory_space<hbm>>
          %dma_wait3A_299 = tpu.memref_squeeze %dma_wait3A_298 : memref<1x200x64xf32, #tpu.memory_space<hbm>> -> memref<200x64xf32, #tpu.memory_space<hbm>>
          %dma_wait3A_300 = arith.constant 0 : i32
          %dma_wait3A_301 = arith.constant 0 : i32
          %dma_wait3A_302 = tpu.memref_slice %arg4[%add3A_295, %dma_wait3A_300, %dma_wait3A_301] : memref<4096x200x64xf32, #tpu.memory_space<hbm>> -> memref<1x200x64xf32, #tpu.memory_space<hbm>>
          %dma_wait3A_303 = tpu.memref_squeeze %dma_wait3A_302 : memref<1x200x64xf32, #tpu.memory_space<hbm>> -> memref<200x64xf32, #tpu.memory_space<hbm>>
          tpu.wait_dma2 semaphore(%arg11 : memref<!tpu.dma_semaphore, #tpu.memory_space<semaphore_mem>>) src(%arg7 : memref<200x64xf32, #tpu.memory_space<vmem>>) dst(%dma_wait3A_303 : memref<200x64xf32, #tpu.memory_space<hbm>>)
        } else {
        }
        %add3A_182 = arith.constant 1 : i32
        %add3A_183 = arith.addi %add3A_134, %add3A_182 : i32
        %mul3A_184 = arith.constant 200 : i32
        %mul3A_185 = arith.muli %add3A_183, %mul3A_184 : i32
        %scan3A_186 = arith.constant 0 : i32
        %scan3A_187 = arith.constant 12 : i32
        %scan3A_188 = arith.addi %scan3A_186, %scan3A_187 : i32
        %scan3A_189 = arith.constant 1 : i32
        scf.for %scan3A_293 = %scan3A_186 to %scan3A_188 step %scan3A_189  : i32 {
          %mul3A_294 = arith.constant 16 : i32
          %mul3A_295 = arith.muli %scan3A_293, %mul3A_294 : i32
          %add3A_296 = arith.constant 0 : i32
          %add3A_297 = arith.addi %add3A_296, %mul3A_295 : i32
          %add3A_298 = arith.addi %mul3A_185, %add3A_297 : i32
          %get3A_299 = arith.index_cast %add3A_298 : i32 to index
          %get3A_300 = tpu.vector_load %arg5[%get3A_299] {strides = array<i32>} : memref<25600xi32, #tpu.memory_space<vmem>>, vector<16xi32>,
          %get3A_301 = vector.shape_cast %get3A_300 : vector<16xi32> to vector<16xi32>
          %slice3A_302 = vector.extract_strided_slice %get3A_301 {offsets = [0], sizes = [1], strides = [1]} : vector<16xi32> to vector<1xi32>
          %squeeze3A_303 = vector.extract %slice3A_302[0] : i32 from vector<1xi32>
          %add3A_304 = arith.constant 0 : i32
          %add3A_305 = arith.addi %add3A_297, %add3A_304 : i32
          %dma_start3A_306 = arith.constant 0 : i32
          %dma_start3A_307 = tpu.memref_slice %arg7[%add3A_305, %dma_start3A_306] : memref<200x64xf32, #tpu.memory_space<vmem>> -> memref<1x64xf32, #tpu.memory_space<vmem>>
          %dma_start3A_308 = arith.constant 0 : i32
          %dma_start3A_309 = tpu.memref_slice %arg3[%squeeze3A_303, %dma_start3A_308] : memref<1000000x64xf32, #tpu.memory_space<hbm>> -> memref<1x64xf32, #tpu.memory_space<hbm>>
          %dma_start3A_310 = arith.constant 0 : i32
          %dma_start3A_311 = tpu.memref_slice %arg7[%add3A_305, %dma_start3A_310] : memref<200x64xf32, #tpu.memory_space<vmem>> -> memref<1x64xf32, #tpu.memory_space<vmem>>
          %dma_start3A_312 = arith.constant 0 : i32
          %dma_start3A_313 = tpu.memref_slice %arg3[%squeeze3A_303, %dma_start3A_312] : memref<1000000x64xf32, #tpu.memory_space<hbm>> -> memref<1x64xf32, #tpu.memory_space<hbm>>
          tpu.enqueue_dma source(%dma_start3A_313 : memref<1x64xf32, #tpu.memory_space<hbm>>) target(%dma_start3A_311 : memref<1x64xf32, #tpu.memory_space<vmem>>) target_semaphore(%arg9 : memref<!tpu.dma_semaphore, #tpu.memory_space<semaphore_mem>>)
          %slice3A_314 = vector.extract_strided_slice %get3A_301 {offsets = [1], sizes = [1], strides = [1]} : vector<16xi32> to vector<1xi32>
          %squeeze3A_315 = vector.extract %slice3A_314[0] : i32 from vector<1xi32>
          %add3A_316 = arith.constant 1 : i32
          %add3A_317 = arith.addi %add3A_297, %add3A_316 : i32
          %dma_start3A_318 = arith.constant 0 : i32
          %dma_start3A_319 = tpu.memref_slice %arg7[%add3A_317, %dma_start3A_318] : memref<200x64xf32, #tpu.memory_space<vmem>> -> memref<1x64xf32, #tpu.memory_space<vmem>>
          %dma_start3A_320 = arith.constant 0 : i32
          %dma_start3A_321 = tpu.memref_slice %arg3[%squeeze3A_315, %dma_start3A_320] : memref<1000000x64xf32, #tpu.memory_space<hbm>> -> memref<1x64xf32, #tpu.memory_space<hbm>>
          %dma_start3A_322 = arith.constant 0 : i32
          %dma_start3A_323 = tpu.memref_slice %arg7[%add3A_317, %dma_start3A_322] : memref<200x64xf32, #tpu.memory_space<vmem>> -> memref<1x64xf32, #tpu.memory_space<vmem>>
          %dma_start3A_324 = arith.constant 0 : i32
          %dma_start3A_325 = tpu.memref_slice %arg3[%squeeze3A_315, %dma_start3A_324] : memref<1000000x64xf32, #tpu.memory_space<hbm>> -> memref<1x64xf32, #tpu.memory_space<hbm>>
          tpu.enqueue_dma source(%dma_start3A_325 : memref<1x64xf32, #tpu.memory_space<hbm>>) target(%dma_start3A_323 : memref<1x64xf32, #tpu.memory_space<vmem>>) target_semaphore(%arg9 : memref<!tpu.dma_semaphore, #tpu.memory_space<semaphore_mem>>)
          %slice3A_326 = vector.extract_strided_slice %get3A_301 {offsets = [2], sizes = [1], strides = [1]} : vector<16xi32> to vector<1xi32>
          %squeeze3A_327 = vector.extract %slice3A_326[0] : i32 from vector<1xi32>
          %add3A_328 = arith.constant 2 : i32
          %add3A_329 = arith.addi %add3A_297, %add3A_328 : i32
          %dma_start3A_330 = arith.constant 0 : i32
          %dma_start3A_331 = tpu.memref_slice %arg7[%add3A_329, %dma_start3A_330] : memref<200x64xf32, #tpu.memory_space<vmem>> -> memref<1x64xf32, #tpu.memory_space<vmem>>
          %dma_start3A_332 = arith.constant 0 : i32
          %dma_start3A_333 = tpu.memref_slice %arg3[%squeeze3A_327, %dma_start3A_332] : memref<1000000x64xf32, #tpu.memory_space<hbm>> -> memref<1x64xf32, #tpu.memory_space<hbm>>
          %dma_start3A_334 = arith.constant 0 : i32
          %dma_start3A_335 = tpu.memref_slice %arg7[%add3A_329, %dma_start3A_334] : memref<200x64xf32, #tpu.memory_space<vmem>> -> memref<1x64xf32, #tpu.memory_space<vmem>>
          %dma_start3A_336 = arith.constant 0 : i32
          %dma_start3A_337 = tpu.memref_slice %arg3[%squeeze3A_327, %dma_start3A_336] : memref<1000000x64xf32, #tpu.memory_space<hbm>> -> memref<1x64xf32, #tpu.memory_space<hbm>>
          tpu.enqueue_dma source(%dma_start3A_337 : memref<1x64xf32, #tpu.memory_space<hbm>>) target(%dma_start3A_335 : memref<1x64xf32, #tpu.memory_space<vmem>>) target_semaphore(%arg9 : memref<!tpu.dma_semaphore, #tpu.memory_space<semaphore_mem>>)
          %slice3A_338 = vector.extract_strided_slice %get3A_301 {offsets = [3], sizes = [1], strides = [1]} : vector<16xi32> to vector<1xi32>
          %squeeze3A_339 = vector.extract %slice3A_338[0] : i32 from vector<1xi32>
          %add3A_340 = arith.constant 3 : i32
          %add3A_341 = arith.addi %add3A_297, %add3A_340 : i32
          %dma_start3A_342 = arith.constant 0 : i32
          %dma_start3A_343 = tpu.memref_slice %arg7[%add3A_341, %dma_start3A_342] : memref<200x64xf32, #tpu.memory_space<vmem>> -> memref<1x64xf32, #tpu.memory_space<vmem>>
          %dma_start3A_344 = arith.constant 0 : i32
          %dma_start3A_345 = tpu.memref_slice %arg3[%squeeze3A_339, %dma_start3A_344] : memref<1000000x64xf32, #tpu.memory_space<hbm>> -> memref<1x64xf32, #tpu.memory_space<hbm>>
          %dma_start3A_346 = arith.constant 0 : i32
          %dma_start3A_347 = tpu.memref_slice %arg7[%add3A_341, %dma_start3A_346] : memref<200x64xf32, #tpu.memory_space<vmem>> -> memref<1x64xf32, #tpu.memory_space<vmem>>
          %dma_start3A_348 = arith.constant 0 : i32
          %dma_start3A_349 = tpu.memref_slice %arg3[%squeeze3A_339, %dma_start3A_348] : memref<1000000x64xf32, #tpu.memory_space<hbm>> -> memref<1x64xf32, #tpu.memory_space<hbm>>
          tpu.enqueue_dma source(%dma_start3A_349 : memref<1x64xf32, #tpu.memory_space<hbm>>) target(%dma_start3A_347 : memref<1x64xf32, #tpu.memory_space<vmem>>) target_semaphore(%arg9 : memref<!tpu.dma_semaphore, #tpu.memory_space<semaphore_mem>>)
          %slice3A_350 = vector.extract_strided_slice %get3A_301 {offsets = [4], sizes = [1], strides = [1]} : vector<16xi32> to vector<1xi32>
          %squeeze3A_351 = vector.extract %slice3A_350[0] : i32 from vector<1xi32>
          %add3A_352 = arith.constant 4 : i32
          %add3A_353 = arith.addi %add3A_297, %add3A_352 : i32
          %dma_start3A_354 = arith.constant 0 : i32
          %dma_start3A_355 = tpu.memref_slice %arg7[%add3A_353, %dma_start3A_354] : memref<200x64xf32, #tpu.memory_space<vmem>> -> memref<1x64xf32, #tpu.memory_space<vmem>>
          %dma_start3A_356 = arith.constant 0 : i32
          %dma_start3A_357 = tpu.memref_slice %arg3[%squeeze3A_351, %dma_start3A_356] : memref<1000000x64xf32, #tpu.memory_space<hbm>> -> memref<1x64xf32, #tpu.memory_space<hbm>>
          %dma_start3A_358 = arith.constant 0 : i32
          %dma_start3A_359 = tpu.memref_slice %arg7[%add3A_353, %dma_start3A_358] : memref<200x64xf32, #tpu.memory_space<vmem>> -> memref<1x64xf32, #tpu.memory_space<vmem>>
          %dma_start3A_360 = arith.constant 0 : i32
          %dma_start3A_361 = tpu.memref_slice %arg3[%squeeze3A_351, %dma_start3A_360] : memref<1000000x64xf32, #tpu.memory_space<hbm>> -> memref<1x64xf32, #tpu.memory_space<hbm>>
          tpu.enqueue_dma source(%dma_start3A_361 : memref<1x64xf32, #tpu.memory_space<hbm>>) target(%dma_start3A_359 : memref<1x64xf32, #tpu.memory_space<vmem>>) target_semaphore(%arg9 : memref<!tpu.dma_semaphore, #tpu.memory_space<semaphore_mem>>)
          %slice3A_362 = vector.extract_strided_slice %get3A_301 {offsets = [5], sizes = [1], strides = [1]} : vector<16xi32> to vector<1xi32>
          %squeeze3A_363 = vector.extract %slice3A_362[0] : i32 from vector<1xi32>
          %add3A_364 = arith.constant 5 : i32
          %add3A_365 = arith.addi %add3A_297, %add3A_364 : i32
          %dma_start3A_366 = arith.constant 0 : i32
          %dma_start3A_367 = tpu.memref_slice %arg7[%add3A_365, %dma_start3A_366] : memref<200x64xf32, #tpu.memory_space<vmem>> -> memref<1x64xf32, #tpu.memory_space<vmem>>
          %dma_start3A_368 = arith.constant 0 : i32
          %dma_start3A_369 = tpu.memref_slice %arg3[%squeeze3A_363, %dma_start3A_368] : memref<1000000x64xf32, #tpu.memory_space<hbm>> -> memref<1x64xf32, #tpu.memory_space<hbm>>
          %dma_start3A_370 = arith.constant 0 : i32
          %dma_start3A_371 = tpu.memref_slice %arg7[%add3A_365, %dma_start3A_370] : memref<200x64xf32, #tpu.memory_space<vmem>> -> memref<1x64xf32, #tpu.memory_space<vmem>>
          %dma_start3A_372 = arith.constant 0 : i32
          %dma_start3A_373 = tpu.memref_slice %arg3[%squeeze3A_363, %dma_start3A_372] : memref<1000000x64xf32, #tpu.memory_space<hbm>> -> memref<1x64xf32, #tpu.memory_space<hbm>>
          tpu.enqueue_dma source(%dma_start3A_373 : memref<1x64xf32, #tpu.memory_space<hbm>>) target(%dma_start3A_371 : memref<1x64xf32, #tpu.memory_space<vmem>>) target_semaphore(%arg9 : memref<!tpu.dma_semaphore, #tpu.memory_space<semaphore_mem>>)
          %slice3A_374 = vector.extract_strided_slice %get3A_301 {offsets = [6], sizes = [1], strides = [1]} : vector<16xi32> to vector<1xi32>
          %squeeze3A_375 = vector.extract %slice3A_374[0] : i32 from vector<1xi32>
          %add3A_376 = arith.constant 6 : i32
          %add3A_377 = arith.addi %add3A_297, %add3A_376 : i32
          %dma_start3A_378 = arith.constant 0 : i32
          %dma_start3A_379 = tpu.memref_slice %arg7[%add3A_377, %dma_start3A_378] : memref<200x64xf32, #tpu.memory_space<vmem>> -> memref<1x64xf32, #tpu.memory_space<vmem>>
          %dma_start3A_380 = arith.constant 0 : i32
          %dma_start3A_381 = tpu.memref_slice %arg3[%squeeze3A_375, %dma_start3A_380] : memref<1000000x64xf32, #tpu.memory_space<hbm>> -> memref<1x64xf32, #tpu.memory_space<hbm>>
          %dma_start3A_382 = arith.constant 0 : i32
          %dma_start3A_383 = tpu.memref_slice %arg7[%add3A_377, %dma_start3A_382] : memref<200x64xf32, #tpu.memory_space<vmem>> -> memref<1x64xf32, #tpu.memory_space<vmem>>
          %dma_start3A_384 = arith.constant 0 : i32
          %dma_start3A_385 = tpu.memref_slice %arg3[%squeeze3A_375, %dma_start3A_384] : memref<1000000x64xf32, #tpu.memory_space<hbm>> -> memref<1x64xf32, #tpu.memory_space<hbm>>
          tpu.enqueue_dma source(%dma_start3A_385 : memref<1x64xf32, #tpu.memory_space<hbm>>) target(%dma_start3A_383 : memref<1x64xf32, #tpu.memory_space<vmem>>) target_semaphore(%arg9 : memref<!tpu.dma_semaphore, #tpu.memory_space<semaphore_mem>>)
          %slice3A_386 = vector.extract_strided_slice %get3A_301 {offsets = [7], sizes = [1], strides = [1]} : vector<16xi32> to vector<1xi32>
          %squeeze3A_387 = vector.extract %slice3A_386[0] : i32 from vector<1xi32>
          %add3A_388 = arith.constant 7 : i32
          %add3A_389 = arith.addi %add3A_297, %add3A_388 : i32
          %dma_start3A_390 = arith.constant 0 : i32
          %dma_start3A_391 = tpu.memref_slice %arg7[%add3A_389, %dma_start3A_390] : memref<200x64xf32, #tpu.memory_space<vmem>> -> memref<1x64xf32, #tpu.memory_space<vmem>>
          %dma_start3A_392 = arith.constant 0 : i32
          %dma_start3A_393 = tpu.memref_slice %arg3[%squeeze3A_387, %dma_start3A_392] : memref<1000000x64xf32, #tpu.memory_space<hbm>> -> memref<1x64xf32, #tpu.memory_space<hbm>>
          %dma_start3A_394 = arith.constant 0 : i32
          %dma_start3A_395 = tpu.memref_slice %arg7[%add3A_389, %dma_start3A_394] : memref<200x64xf32, #tpu.memory_space<vmem>> -> memref<1x64xf32, #tpu.memory_space<vmem>>
          %dma_start3A_396 = arith.constant 0 : i32
          %dma_start3A_397 = tpu.memref_slice %arg3[%squeeze3A_387, %dma_start3A_396] : memref<1000000x64xf32, #tpu.memory_space<hbm>> -> memref<1x64xf32, #tpu.memory_space<hbm>>
          tpu.enqueue_dma source(%dma_start3A_397 : memref<1x64xf32, #tpu.memory_space<hbm>>) target(%dma_start3A_395 : memref<1x64xf32, #tpu.memory_space<vmem>>) target_semaphore(%arg9 : memref<!tpu.dma_semaphore, #tpu.memory_space<semaphore_mem>>)
          %slice3A_398 = vector.extract_strided_slice %get3A_301 {offsets = [8], sizes = [1], strides = [1]} : vector<16xi32> to vector<1xi32>
          %squeeze3A_399 = vector.extract %slice3A_398[0] : i32 from vector<1xi32>
          %add3A_400 = arith.constant 8 : i32
          %add3A_401 = arith.addi %add3A_297, %add3A_400 : i32
          %dma_start3A_402 = arith.constant 0 : i32
          %dma_start3A_403 = tpu.memref_slice %arg7[%add3A_401, %dma_start3A_402] : memref<200x64xf32, #tpu.memory_space<vmem>> -> memref<1x64xf32, #tpu.memory_space<vmem>>
          %dma_start3A_404 = arith.constant 0 : i32
          %dma_start3A_405 = tpu.memref_slice %arg3[%squeeze3A_399, %dma_start3A_404] : memref<1000000x64xf32, #tpu.memory_space<hbm>> -> memref<1x64xf32, #tpu.memory_space<hbm>>
          %dma_start3A_406 = arith.constant 0 : i32
          %dma_start3A_407 = tpu.memref_slice %arg7[%add3A_401, %dma_start3A_406] : memref<200x64xf32, #tpu.memory_space<vmem>> -> memref<1x64xf32, #tpu.memory_space<vmem>>
          %dma_start3A_408 = arith.constant 0 : i32
          %dma_start3A_409 = tpu.memref_slice %arg3[%squeeze3A_399, %dma_start3A_408] : memref<1000000x64xf32, #tpu.memory_space<hbm>> -> memref<1x64xf32, #tpu.memory_space<hbm>>
          tpu.enqueue_dma source(%dma_start3A_409 : memref<1x64xf32, #tpu.memory_space<hbm>>) target(%dma_start3A_407 : memref<1x64xf32, #tpu.memory_space<vmem>>) target_semaphore(%arg9 : memref<!tpu.dma_semaphore, #tpu.memory_space<semaphore_mem>>)
          %slice3A_410 = vector.extract_strided_slice %get3A_301 {offsets = [9], sizes = [1], strides = [1]} : vector<16xi32> to vector<1xi32>
          %squeeze3A_411 = vector.extract %slice3A_410[0] : i32 from vector<1xi32>
          %add3A_412 = arith.constant 9 : i32
          %add3A_413 = arith.addi %add3A_297, %add3A_412 : i32
          %dma_start3A_414 = arith.constant 0 : i32
          %dma_start3A_415 = tpu.memref_slice %arg7[%add3A_413, %dma_start3A_414] : memref<200x64xf32, #tpu.memory_space<vmem>> -> memref<1x64xf32, #tpu.memory_space<vmem>>
          %dma_start3A_416 = arith.constant 0 : i32
          %dma_start3A_417 = tpu.memref_slice %arg3[%squeeze3A_411, %dma_start3A_416] : memref<1000000x64xf32, #tpu.memory_space<hbm>> -> memref<1x64xf32, #tpu.memory_space<hbm>>
          %dma_start3A_418 = arith.constant 0 : i32
          %dma_start3A_419 = tpu.memref_slice %arg7[%add3A_413, %dma_start3A_418] : memref<200x64xf32, #tpu.memory_space<vmem>> -> memref<1x64xf32, #tpu.memory_space<vmem>>
          %dma_start3A_420 = arith.constant 0 : i32
          %dma_start3A_421 = tpu.memref_slice %arg3[%squeeze3A_411, %dma_start3A_420] : memref<1000000x64xf32, #tpu.memory_space<hbm>> -> memref<1x64xf32, #tpu.memory_space<hbm>>
          tpu.enqueue_dma source(%dma_start3A_421 : memref<1x64xf32, #tpu.memory_space<hbm>>) target(%dma_start3A_419 : memref<1x64xf32, #tpu.memory_space<vmem>>) target_semaphore(%arg9 : memref<!tpu.dma_semaphore, #tpu.memory_space<semaphore_mem>>)
          %slice3A_422 = vector.extract_strided_slice %get3A_301 {offsets = [10], sizes = [1], strides = [1]} : vector<16xi32> to vector<1xi32>
          %squeeze3A_423 = vector.extract %slice3A_422[0] : i32 from vector<1xi32>
          %add3A_424 = arith.constant 10 : i32
          %add3A_425 = arith.addi %add3A_297, %add3A_424 : i32
          %dma_start3A_426 = arith.constant 0 : i32
          %dma_start3A_427 = tpu.memref_slice %arg7[%add3A_425, %dma_start3A_426] : memref<200x64xf32, #tpu.memory_space<vmem>> -> memref<1x64xf32, #tpu.memory_space<vmem>>
          %dma_start3A_428 = arith.constant 0 : i32
          %dma_start3A_429 = tpu.memref_slice %arg3[%squeeze3A_423, %dma_start3A_428] : memref<1000000x64xf32, #tpu.memory_space<hbm>> -> memref<1x64xf32, #tpu.memory_space<hbm>>
          %dma_start3A_430 = arith.constant 0 : i32
          %dma_start3A_431 = tpu.memref_slice %arg7[%add3A_425, %dma_start3A_430] : memref<200x64xf32, #tpu.memory_space<vmem>> -> memref<1x64xf32, #tpu.memory_space<vmem>>
          %dma_start3A_432 = arith.constant 0 : i32
          %dma_start3A_433 = tpu.memref_slice %arg3[%squeeze3A_423, %dma_start3A_432] : memref<1000000x64xf32, #tpu.memory_space<hbm>> -> memref<1x64xf32, #tpu.memory_space<hbm>>
          tpu.enqueue_dma source(%dma_start3A_433 : memref<1x64xf32, #tpu.memory_space<hbm>>) target(%dma_start3A_431 : memref<1x64xf32, #tpu.memory_space<vmem>>) target_semaphore(%arg9 : memref<!tpu.dma_semaphore, #tpu.memory_space<semaphore_mem>>)
          %slice3A_434 = vector.extract_strided_slice %get3A_301 {offsets = [11], sizes = [1], strides = [1]} : vector<16xi32> to vector<1xi32>
          %squeeze3A_435 = vector.extract %slice3A_434[0] : i32 from vector<1xi32>
          %add3A_436 = arith.constant 11 : i32
          %add3A_437 = arith.addi %add3A_297, %add3A_436 : i32
          %dma_start3A_438 = arith.constant 0 : i32
          %dma_start3A_439 = tpu.memref_slice %arg7[%add3A_437, %dma_start3A_438] : memref<200x64xf32, #tpu.memory_space<vmem>> -> memref<1x64xf32, #tpu.memory_space<vmem>>
          %dma_start3A_440 = arith.constant 0 : i32
          %dma_start3A_441 = tpu.memref_slice %arg3[%squeeze3A_435, %dma_start3A_440] : memref<1000000x64xf32, #tpu.memory_space<hbm>> -> memref<1x64xf32, #tpu.memory_space<hbm>>
          %dma_start3A_442 = arith.constant 0 : i32
          %dma_start3A_443 = tpu.memref_slice %arg7[%add3A_437, %dma_start3A_442] : memref<200x64xf32, #tpu.memory_space<vmem>> -> memref<1x64xf32, #tpu.memory_space<vmem>>
          %dma_start3A_444 = arith.constant 0 : i32
          %dma_start3A_445 = tpu.memref_slice %arg3[%squeeze3A_435, %dma_start3A_444] : memref<1000000x64xf32, #tpu.memory_space<hbm>> -> memref<1x64xf32, #tpu.memory_space<hbm>>
          tpu.enqueue_dma source(%dma_start3A_445 : memref<1x64xf32, #tpu.memory_space<hbm>>) target(%dma_start3A_443 : memref<1x64xf32, #tpu.memory_space<vmem>>) target_semaphore(%arg9 : memref<!tpu.dma_semaphore, #tpu.memory_space<semaphore_mem>>)
          %slice3A_446 = vector.extract_strided_slice %get3A_301 {offsets = [12], sizes = [1], strides = [1]} : vector<16xi32> to vector<1xi32>
          %squeeze3A_447 = vector.extract %slice3A_446[0] : i32 from vector<1xi32>
          %add3A_448 = arith.constant 12 : i32
          %add3A_449 = arith.addi %add3A_297, %add3A_448 : i32
          %dma_start3A_450 = arith.constant 0 : i32
          %dma_start3A_451 = tpu.memref_slice %arg7[%add3A_449, %dma_start3A_450] : memref<200x64xf32, #tpu.memory_space<vmem>> -> memref<1x64xf32, #tpu.memory_space<vmem>>
          %dma_start3A_452 = arith.constant 0 : i32
          %dma_start3A_453 = tpu.memref_slice %arg3[%squeeze3A_447, %dma_start3A_452] : memref<1000000x64xf32, #tpu.memory_space<hbm>> -> memref<1x64xf32, #tpu.memory_space<hbm>>
          %dma_start3A_454 = arith.constant 0 : i32
          %dma_start3A_455 = tpu.memref_slice %arg7[%add3A_449, %dma_start3A_454] : memref<200x64xf32, #tpu.memory_space<vmem>> -> memref<1x64xf32, #tpu.memory_space<vmem>>
          %dma_start3A_456 = arith.constant 0 : i32
          %dma_start3A_457 = tpu.memref_slice %arg3[%squeeze3A_447, %dma_start3A_456] : memref<1000000x64xf32, #tpu.memory_space<hbm>> -> memref<1x64xf32, #tpu.memory_space<hbm>>
          tpu.enqueue_dma source(%dma_start3A_457 : memref<1x64xf32, #tpu.memory_space<hbm>>) target(%dma_start3A_455 : memref<1x64xf32, #tpu.memory_space<vmem>>) target_semaphore(%arg9 : memref<!tpu.dma_semaphore, #tpu.memory_space<semaphore_mem>>)
          %slice3A_458 = vector.extract_strided_slice %get3A_301 {offsets = [13], sizes = [1], strides = [1]} : vector<16xi32> to vector<1xi32>
          %squeeze3A_459 = vector.extract %slice3A_458[0] : i32 from vector<1xi32>
          %add3A_460 = arith.constant 13 : i32
          %add3A_461 = arith.addi %add3A_297, %add3A_460 : i32
          %dma_start3A_462 = arith.constant 0 : i32
          %dma_start3A_463 = tpu.memref_slice %arg7[%add3A_461, %dma_start3A_462] : memref<200x64xf32, #tpu.memory_space<vmem>> -> memref<1x64xf32, #tpu.memory_space<vmem>>
          %dma_start3A_464 = arith.constant 0 : i32
          %dma_start3A_465 = tpu.memref_slice %arg3[%squeeze3A_459, %dma_start3A_464] : memref<1000000x64xf32, #tpu.memory_space<hbm>> -> memref<1x64xf32, #tpu.memory_space<hbm>>
          %dma_start3A_466 = arith.constant 0 : i32
          %dma_start3A_467 = tpu.memref_slice %arg7[%add3A_461, %dma_start3A_466] : memref<200x64xf32, #tpu.memory_space<vmem>> -> memref<1x64xf32, #tpu.memory_space<vmem>>
          %dma_start3A_468 = arith.constant 0 : i32
          %dma_start3A_469 = tpu.memref_slice %arg3[%squeeze3A_459, %dma_start3A_468] : memref<1000000x64xf32, #tpu.memory_space<hbm>> -> memref<1x64xf32, #tpu.memory_space<hbm>>
          tpu.enqueue_dma source(%dma_start3A_469 : memref<1x64xf32, #tpu.memory_space<hbm>>) target(%dma_start3A_467 : memref<1x64xf32, #tpu.memory_space<vmem>>) target_semaphore(%arg9 : memref<!tpu.dma_semaphore, #tpu.memory_space<semaphore_mem>>)
          %slice3A_470 = vector.extract_strided_slice %get3A_301 {offsets = [14], sizes = [1], strides = [1]} : vector<16xi32> to vector<1xi32>
          %squeeze3A_471 = vector.extract %slice3A_470[0] : i32 from vector<1xi32>
          %add3A_472 = arith.constant 14 : i32
          %add3A_473 = arith.addi %add3A_297, %add3A_472 : i32
          %dma_start3A_474 = arith.constant 0 : i32
          %dma_start3A_475 = tpu.memref_slice %arg7[%add3A_473, %dma_start3A_474] : memref<200x64xf32, #tpu.memory_space<vmem>> -> memref<1x64xf32, #tpu.memory_space<vmem>>
          %dma_start3A_476 = arith.constant 0 : i32
          %dma_start3A_477 = tpu.memref_slice %arg3[%squeeze3A_471, %dma_start3A_476] : memref<1000000x64xf32, #tpu.memory_space<hbm>> -> memref<1x64xf32, #tpu.memory_space<hbm>>
          %dma_start3A_478 = arith.constant 0 : i32
          %dma_start3A_479 = tpu.memref_slice %arg7[%add3A_473, %dma_start3A_478] : memref<200x64xf32, #tpu.memory_space<vmem>> -> memref<1x64xf32, #tpu.memory_space<vmem>>
          %dma_start3A_480 = arith.constant 0 : i32
          %dma_start3A_481 = tpu.memref_slice %arg3[%squeeze3A_471, %dma_start3A_480] : memref<1000000x64xf32, #tpu.memory_space<hbm>> -> memref<1x64xf32, #tpu.memory_space<hbm>>
          tpu.enqueue_dma source(%dma_start3A_481 : memref<1x64xf32, #tpu.memory_space<hbm>>) target(%dma_start3A_479 : memref<1x64xf32, #tpu.memory_space<vmem>>) target_semaphore(%arg9 : memref<!tpu.dma_semaphore, #tpu.memory_space<semaphore_mem>>)
          %slice3A_482 = vector.extract_strided_slice %get3A_301 {offsets = [15], sizes = [1], strides = [1]} : vector<16xi32> to vector<1xi32>
          %squeeze3A_483 = vector.extract %slice3A_482[0] : i32 from vector<1xi32>
          %add3A_484 = arith.constant 15 : i32
          %add3A_485 = arith.addi %add3A_297, %add3A_484 : i32
          %dma_start3A_486 = arith.constant 0 : i32
          %dma_start3A_487 = tpu.memref_slice %arg7[%add3A_485, %dma_start3A_486] : memref<200x64xf32, #tpu.memory_space<vmem>> -> memref<1x64xf32, #tpu.memory_space<vmem>>
          %dma_start3A_488 = arith.constant 0 : i32
          %dma_start3A_489 = tpu.memref_slice %arg3[%squeeze3A_483, %dma_start3A_488] : memref<1000000x64xf32, #tpu.memory_space<hbm>> -> memref<1x64xf32, #tpu.memory_space<hbm>>
          %dma_start3A_490 = arith.constant 0 : i32
          %dma_start3A_491 = tpu.memref_slice %arg7[%add3A_485, %dma_start3A_490] : memref<200x64xf32, #tpu.memory_space<vmem>> -> memref<1x64xf32, #tpu.memory_space<vmem>>
          %dma_start3A_492 = arith.constant 0 : i32
          %dma_start3A_493 = tpu.memref_slice %arg3[%squeeze3A_483, %dma_start3A_492] : memref<1000000x64xf32, #tpu.memory_space<hbm>> -> memref<1x64xf32, #tpu.memory_space<hbm>>
          tpu.enqueue_dma source(%dma_start3A_493 : memref<1x64xf32, #tpu.memory_space<hbm>>) target(%dma_start3A_491 : memref<1x64xf32, #tpu.memory_space<vmem>>) target_semaphore(%arg9 : memref<!tpu.dma_semaphore, #tpu.memory_space<semaphore_mem>>)
        }
        %scan3A_190 = arith.constant 12 : i32
        %add3A_191 = arith.constant 200 : i32
        %add3A_192 = arith.addi %mul3A_185, %add3A_191 : i32
        %sub3A = arith.constant 16 : i32
        %sub3A_193 = arith.subi %add3A_192, %sub3A : i32
        %get3A_194 = arith.index_cast %sub3A_193 : i32 to index
        %get3A_195 = tpu.vector_load %arg5[%get3A_194] {strides = array<i32>} : memref<25600xi32, #tpu.memory_space<vmem>>, vector<16xi32>,
        %get3A_196 = vector.shape_cast %get3A_195 : vector<16xi32> to vector<16xi32>
        %slice3A_197 = vector.extract_strided_slice %get3A_196 {offsets = [8], sizes = [1], strides = [1]} : vector<16xi32> to vector<1xi32>
        %squeeze3A_198 = vector.extract %slice3A_197[0] : i32 from vector<1xi32>
        %dma_start3A_199 = arith.constant 192 : i32
        %dma_start3A_200 = arith.constant 0 : i32
        %dma_start3A_201 = tpu.memref_slice %arg7[%dma_start3A_199, %dma_start3A_200] : memref<200x64xf32, #tpu.memory_space<vmem>> -> memref<1x64xf32, #tpu.memory_space<vmem>>
        %dma_start3A_202 = arith.constant 0 : i32
        %dma_start3A_203 = tpu.memref_slice %arg3[%squeeze3A_198, %dma_start3A_202] : memref<1000000x64xf32, #tpu.memory_space<hbm>> -> memref<1x64xf32, #tpu.memory_space<hbm>>
        %dma_start3A_204 = arith.constant 192 : i32
        %dma_start3A_205 = arith.constant 0 : i32
        %dma_start3A_206 = tpu.memref_slice %arg7[%dma_start3A_204, %dma_start3A_205] : memref<200x64xf32, #tpu.memory_space<vmem>> -> memref<1x64xf32, #tpu.memory_space<vmem>>
        %dma_start3A_207 = arith.constant 0 : i32
        %dma_start3A_208 = tpu.memref_slice %arg3[%squeeze3A_198, %dma_start3A_207] : memref<1000000x64xf32, #tpu.memory_space<hbm>> -> memref<1x64xf32, #tpu.memory_space<hbm>>
        tpu.enqueue_dma source(%dma_start3A_208 : memref<1x64xf32, #tpu.memory_space<hbm>>) target(%dma_start3A_206 : memref<1x64xf32, #tpu.memory_space<vmem>>) target_semaphore(%arg9 : memref<!tpu.dma_semaphore, #tpu.memory_space<semaphore_mem>>)
        %slice3A_209 = vector.extract_strided_slice %get3A_196 {offsets = [9], sizes = [1], strides = [1]} : vector<16xi32> to vector<1xi32>
        %squeeze3A_210 = vector.extract %slice3A_209[0] : i32 from vector<1xi32>
        %dma_start3A_211 = arith.constant 193 : i32
        %dma_start3A_212 = arith.constant 0 : i32
        %dma_start3A_213 = tpu.memref_slice %arg7[%dma_start3A_211, %dma_start3A_212] : memref<200x64xf32, #tpu.memory_space<vmem>> -> memref<1x64xf32, #tpu.memory_space<vmem>>
        %dma_start3A_214 = arith.constant 0 : i32
        %dma_start3A_215 = tpu.memref_slice %arg3[%squeeze3A_210, %dma_start3A_214] : memref<1000000x64xf32, #tpu.memory_space<hbm>> -> memref<1x64xf32, #tpu.memory_space<hbm>>
        %dma_start3A_216 = arith.constant 193 : i32
        %dma_start3A_217 = arith.constant 0 : i32
        %dma_start3A_218 = tpu.memref_slice %arg7[%dma_start3A_216, %dma_start3A_217] : memref<200x64xf32, #tpu.memory_space<vmem>> -> memref<1x64xf32, #tpu.memory_space<vmem>>
        %dma_start3A_219 = arith.constant 0 : i32
        %dma_start3A_220 = tpu.memref_slice %arg3[%squeeze3A_210, %dma_start3A_219] : memref<1000000x64xf32, #tpu.memory_space<hbm>> -> memref<1x64xf32, #tpu.memory_space<hbm>>
        tpu.enqueue_dma source(%dma_start3A_220 : memref<1x64xf32, #tpu.memory_space<hbm>>) target(%dma_start3A_218 : memref<1x64xf32, #tpu.memory_space<vmem>>) target_semaphore(%arg9 : memref<!tpu.dma_semaphore, #tpu.memory_space<semaphore_mem>>)
        %slice3A_221 = vector.extract_strided_slice %get3A_196 {offsets = [10], sizes = [1], strides = [1]} : vector<16xi32> to vector<1xi32>
        %squeeze3A_222 = vector.extract %slice3A_221[0] : i32 from vector<1xi32>
        %dma_start3A_223 = arith.constant 194 : i32
        %dma_start3A_224 = arith.constant 0 : i32
        %dma_start3A_225 = tpu.memref_slice %arg7[%dma_start3A_223, %dma_start3A_224] : memref<200x64xf32, #tpu.memory_space<vmem>> -> memref<1x64xf32, #tpu.memory_space<vmem>>
        %dma_start3A_226 = arith.constant 0 : i32
        %dma_start3A_227 = tpu.memref_slice %arg3[%squeeze3A_222, %dma_start3A_226] : memref<1000000x64xf32, #tpu.memory_space<hbm>> -> memref<1x64xf32, #tpu.memory_space<hbm>>
        %dma_start3A_228 = arith.constant 194 : i32
        %dma_start3A_229 = arith.constant 0 : i32
        %dma_start3A_230 = tpu.memref_slice %arg7[%dma_start3A_228, %dma_start3A_229] : memref<200x64xf32, #tpu.memory_space<vmem>> -> memref<1x64xf32, #tpu.memory_space<vmem>>
        %dma_start3A_231 = arith.constant 0 : i32
        %dma_start3A_232 = tpu.memref_slice %arg3[%squeeze3A_222, %dma_start3A_231] : memref<1000000x64xf32, #tpu.memory_space<hbm>> -> memref<1x64xf32, #tpu.memory_space<hbm>>
        tpu.enqueue_dma source(%dma_start3A_232 : memref<1x64xf32, #tpu.memory_space<hbm>>) target(%dma_start3A_230 : memref<1x64xf32, #tpu.memory_space<vmem>>) target_semaphore(%arg9 : memref<!tpu.dma_semaphore, #tpu.memory_space<semaphore_mem>>)
        %slice3A_233 = vector.extract_strided_slice %get3A_196 {offsets = [11], sizes = [1], strides = [1]} : vector<16xi32> to vector<1xi32>
        %squeeze3A_234 = vector.extract %slice3A_233[0] : i32 from vector<1xi32>
        %dma_start3A_235 = arith.constant 195 : i32
        %dma_start3A_236 = arith.constant 0 : i32
        %dma_start3A_237 = tpu.memref_slice %arg7[%dma_start3A_235, %dma_start3A_236] : memref<200x64xf32, #tpu.memory_space<vmem>> -> memref<1x64xf32, #tpu.memory_space<vmem>>
        %dma_start3A_238 = arith.constant 0 : i32
        %dma_start3A_239 = tpu.memref_slice %arg3[%squeeze3A_234, %dma_start3A_238] : memref<1000000x64xf32, #tpu.memory_space<hbm>> -> memref<1x64xf32, #tpu.memory_space<hbm>>
        %dma_start3A_240 = arith.constant 195 : i32
        %dma_start3A_241 = arith.constant 0 : i32
        %dma_start3A_242 = tpu.memref_slice %arg7[%dma_start3A_240, %dma_start3A_241] : memref<200x64xf32, #tpu.memory_space<vmem>> -> memref<1x64xf32, #tpu.memory_space<vmem>>
        %dma_start3A_243 = arith.constant 0 : i32
        %dma_start3A_244 = tpu.memref_slice %arg3[%squeeze3A_234, %dma_start3A_243] : memref<1000000x64xf32, #tpu.memory_space<hbm>> -> memref<1x64xf32, #tpu.memory_space<hbm>>
        tpu.enqueue_dma source(%dma_start3A_244 : memref<1x64xf32, #tpu.memory_space<hbm>>) target(%dma_start3A_242 : memref<1x64xf32, #tpu.memory_space<vmem>>) target_semaphore(%arg9 : memref<!tpu.dma_semaphore, #tpu.memory_space<semaphore_mem>>)
        %slice3A_245 = vector.extract_strided_slice %get3A_196 {offsets = [12], sizes = [1], strides = [1]} : vector<16xi32> to vector<1xi32>
        %squeeze3A_246 = vector.extract %slice3A_245[0] : i32 from vector<1xi32>
        %dma_start3A_247 = arith.constant 196 : i32
        %dma_start3A_248 = arith.constant 0 : i32
        %dma_start3A_249 = tpu.memref_slice %arg7[%dma_start3A_247, %dma_start3A_248] : memref<200x64xf32, #tpu.memory_space<vmem>> -> memref<1x64xf32, #tpu.memory_space<vmem>>
        %dma_start3A_250 = arith.constant 0 : i32
        %dma_start3A_251 = tpu.memref_slice %arg3[%squeeze3A_246, %dma_start3A_250] : memref<1000000x64xf32, #tpu.memory_space<hbm>> -> memref<1x64xf32, #tpu.memory_space<hbm>>
        %dma_start3A_252 = arith.constant 196 : i32
        %dma_start3A_253 = arith.constant 0 : i32
        %dma_start3A_254 = tpu.memref_slice %arg7[%dma_start3A_252, %dma_start3A_253] : memref<200x64xf32, #tpu.memory_space<vmem>> -> memref<1x64xf32, #tpu.memory_space<vmem>>
        %dma_start3A_255 = arith.constant 0 : i32
        %dma_start3A_256 = tpu.memref_slice %arg3[%squeeze3A_246, %dma_start3A_255] : memref<1000000x64xf32, #tpu.memory_space<hbm>> -> memref<1x64xf32, #tpu.memory_space<hbm>>
        tpu.enqueue_dma source(%dma_start3A_256 : memref<1x64xf32, #tpu.memory_space<hbm>>) target(%dma_start3A_254 : memref<1x64xf32, #tpu.memory_space<vmem>>) target_semaphore(%arg9 : memref<!tpu.dma_semaphore, #tpu.memory_space<semaphore_mem>>)
        %slice3A_257 = vector.extract_strided_slice %get3A_196 {offsets = [13], sizes = [1], strides = [1]} : vector<16xi32> to vector<1xi32>
        %squeeze3A_258 = vector.extract %slice3A_257[0] : i32 from vector<1xi32>
        %dma_start3A_259 = arith.constant 197 : i32
        %dma_start3A_260 = arith.constant 0 : i32
        %dma_start3A_261 = tpu.memref_slice %arg7[%dma_start3A_259, %dma_start3A_260] : memref<200x64xf32, #tpu.memory_space<vmem>> -> memref<1x64xf32, #tpu.memory_space<vmem>>
        %dma_start3A_262 = arith.constant 0 : i32
        %dma_start3A_263 = tpu.memref_slice %arg3[%squeeze3A_258, %dma_start3A_262] : memref<1000000x64xf32, #tpu.memory_space<hbm>> -> memref<1x64xf32, #tpu.memory_space<hbm>>
        %dma_start3A_264 = arith.constant 197 : i32
        %dma_start3A_265 = arith.constant 0 : i32
        %dma_start3A_266 = tpu.memref_slice %arg7[%dma_start3A_264, %dma_start3A_265] : memref<200x64xf32, #tpu.memory_space<vmem>> -> memref<1x64xf32, #tpu.memory_space<vmem>>
        %dma_start3A_267 = arith.constant 0 : i32
        %dma_start3A_268 = tpu.memref_slice %arg3[%squeeze3A_258, %dma_start3A_267] : memref<1000000x64xf32, #tpu.memory_space<hbm>> -> memref<1x64xf32, #tpu.memory_space<hbm>>
        tpu.enqueue_dma source(%dma_start3A_268 : memref<1x64xf32, #tpu.memory_space<hbm>>) target(%dma_start3A_266 : memref<1x64xf32, #tpu.memory_space<vmem>>) target_semaphore(%arg9 : memref<!tpu.dma_semaphore, #tpu.memory_space<semaphore_mem>>)
        %slice3A_269 = vector.extract_strided_slice %get3A_196 {offsets = [14], sizes = [1], strides = [1]} : vector<16xi32> to vector<1xi32>
        %squeeze3A_270 = vector.extract %slice3A_269[0] : i32 from vector<1xi32>
        %dma_start3A_271 = arith.constant 198 : i32
        %dma_start3A_272 = arith.constant 0 : i32
        %dma_start3A_273 = tpu.memref_slice %arg7[%dma_start3A_271, %dma_start3A_272] : memref<200x64xf32, #tpu.memory_space<vmem>> -> memref<1x64xf32, #tpu.memory_space<vmem>>
        %dma_start3A_274 = arith.constant 0 : i32
        %dma_start3A_275 = tpu.memref_slice %arg3[%squeeze3A_270, %dma_start3A_274] : memref<1000000x64xf32, #tpu.memory_space<hbm>> -> memref<1x64xf32, #tpu.memory_space<hbm>>
        %dma_start3A_276 = arith.constant 198 : i32
        %dma_start3A_277 = arith.constant 0 : i32
        %dma_start3A_278 = tpu.memref_slice %arg7[%dma_start3A_276, %dma_start3A_277] : memref<200x64xf32, #tpu.memory_space<vmem>> -> memref<1x64xf32, #tpu.memory_space<vmem>>
        %dma_start3A_279 = arith.constant 0 : i32
        %dma_start3A_280 = tpu.memref_slice %arg3[%squeeze3A_270, %dma_start3A_279] : memref<1000000x64xf32, #tpu.memory_space<hbm>> -> memref<1x64xf32, #tpu.memory_space<hbm>>
        tpu.enqueue_dma source(%dma_start3A_280 : memref<1x64xf32, #tpu.memory_space<hbm>>) target(%dma_start3A_278 : memref<1x64xf32, #tpu.memory_space<vmem>>) target_semaphore(%arg9 : memref<!tpu.dma_semaphore, #tpu.memory_space<semaphore_mem>>)
        %slice3A_281 = vector.extract_strided_slice %get3A_196 {offsets = [15], sizes = [1], strides = [1]} : vector<16xi32> to vector<1xi32>
        %squeeze3A_282 = vector.extract %slice3A_281[0] : i32 from vector<1xi32>
        %dma_start3A_283 = arith.constant 199 : i32
        %dma_start3A_284 = arith.constant 0 : i32
        %dma_start3A_285 = tpu.memref_slice %arg7[%dma_start3A_283, %dma_start3A_284] : memref<200x64xf32, #tpu.memory_space<vmem>> -> memref<1x64xf32, #tpu.memory_space<vmem>>
        %dma_start3A_286 = arith.constant 0 : i32
        %dma_start3A_287 = tpu.memref_slice %arg3[%squeeze3A_282, %dma_start3A_286] : memref<1000000x64xf32, #tpu.memory_space<hbm>> -> memref<1x64xf32, #tpu.memory_space<hbm>>
        %dma_start3A_288 = arith.constant 199 : i32
        %dma_start3A_289 = arith.constant 0 : i32
        %dma_start3A_290 = tpu.memref_slice %arg7[%dma_start3A_288, %dma_start3A_289] : memref<200x64xf32, #tpu.memory_space<vmem>> -> memref<1x64xf32, #tpu.memory_space<vmem>>
        %dma_start3A_291 = arith.constant 0 : i32
        %dma_start3A_292 = tpu.memref_slice %arg3[%squeeze3A_282, %dma_start3A_291] : memref<1000000x64xf32, #tpu.memory_space<hbm>> -> memref<1x64xf32, #tpu.memory_space<hbm>>
        tpu.enqueue_dma source(%dma_start3A_292 : memref<1x64xf32, #tpu.memory_space<hbm>>) target(%dma_start3A_290 : memref<1x64xf32, #tpu.memory_space<vmem>>) target_semaphore(%arg9 : memref<!tpu.dma_semaphore, #tpu.memory_space<semaphore_mem>>)
      } else {
      }
      %dma_wait3A_139 = arith.constant 0 : i32
      %dma_wait3A_140 = arith.constant 0 : i32
      %dma_wait3A_141 = tpu.memref_slice %arg3[%dma_wait3A_139, %dma_wait3A_140] : memref<1000000x64xf32, #tpu.memory_space<hbm>> -> memref<200x64xf32, #tpu.memory_space<hbm>>
      %dma_wait3A_142 = arith.constant 0 : i32
      %dma_wait3A_143 = arith.constant 0 : i32
      %dma_wait3A_144 = tpu.memref_slice %arg3[%dma_wait3A_142, %dma_wait3A_143] : memref<1000000x64xf32, #tpu.memory_space<hbm>> -> memref<200x64xf32, #tpu.memory_space<hbm>>
      tpu.wait_dma2 semaphore(%arg8 : memref<!tpu.dma_semaphore, #tpu.memory_space<semaphore_mem>>) src(%dma_wait3A_144 : memref<200x64xf32, #tpu.memory_space<hbm>>) dst(%arg6 : memref<200x64xf32, #tpu.memory_space<vmem>>)
      %add3A_145 = arith.addi %mul3A_2, %add3A_134 : i32
      %dma_start3A_146 = arith.constant 0 : i32
      %dma_start3A_147 = arith.constant 0 : i32
      %dma_start3A_148 = tpu.memref_slice %arg4[%add3A_145, %dma_start3A_146, %dma_start3A_147] : memref<4096x200x64xf32, #tpu.memory_space<hbm>> -> memref<1x200x64xf32, #tpu.memory_space<hbm>>
      %dma_start3A_149 = tpu.memref_squeeze %dma_start3A_148 : memref<1x200x64xf32, #tpu.memory_space<hbm>> -> memref<200x64xf32, #tpu.memory_space<hbm>>
      %dma_start3A_150 = arith.constant 0 : i32
      %dma_start3A_151 = arith.constant 0 : i32
      %dma_start3A_152 = tpu.memref_slice %arg4[%add3A_145, %dma_start3A_150, %dma_start3A_151] : memref<4096x200x64xf32, #tpu.memory_space<hbm>> -> memref<1x200x64xf32, #tpu.memory_space<hbm>>
      %dma_start3A_153 = tpu.memref_squeeze %dma_start3A_152 : memref<1x200x64xf32, #tpu.memory_space<hbm>> -> memref<200x64xf32, #tpu.memory_space<hbm>>
      tpu.enqueue_dma source(%arg6 : memref<200x64xf32, #tpu.memory_space<vmem>>) target(%dma_start3A_153 : memref<200x64xf32, #tpu.memory_space<hbm>>) target_semaphore(%arg10 : memref<!tpu.dma_semaphore, #tpu.memory_space<semaphore_mem>>)
      %add3A_154 = arith.constant 1 : i32
      %add3A_155 = arith.addi %add3A_132, %add3A_154 : i32
      %add3A_156 = arith.constant 1 : i32
      %add3A_157 = arith.addi %add3A_155, %add3A_156 : i32
      %lt3A_158 = arith.constant 128 : i32
      %lt3A_159 = arith.cmpi slt, %add3A_157, %lt3A_158 : i32
      %convert_element_type3A_160 = arith.extui %lt3A_159 : i1 to i32
      %cond3A_161 = arith.constant 0 : i32
      %cond3A_162 = arith.cmpi ne, %convert_element_type3A_160, %cond3A_161 : i32
      scf.if %cond3A_162 {
        %ge3A = arith.constant 1 : i32
        %ge3A_178 = arith.cmpi sge, %add3A_155, %ge3A : i32
        %convert_element_type3A_179 = arith.extui %ge3A_178 : i1 to i32
        %cond3A_180 = arith.constant 0 : i32
        %cond3A_181 = arith.cmpi ne, %convert_element_type3A_179, %cond3A_180 : i32
        scf.if %cond3A_181 {
          %sub3A_293 = arith.constant 1 : i32
          %sub3A_294 = arith.subi %add3A_155, %sub3A_293 : i32
          %add3A_295 = arith.addi %mul3A_2, %sub3A_294 : i32
          %dma_wait3A_296 = arith.constant 0 : i32
          %dma_wait3A_297 = arith.constant 0 : i32
          %dma_wait3A_298 = tpu.memref_slice %arg4[%add3A_295, %dma_wait3A_296, %dma_wait3A_297] : memref<4096x200x64xf32, #tpu.memory_space<hbm>> -> memref<1x200x64xf32, #tpu.memory_space<hbm>>
          %dma_wait3A_299 = tpu.memref_squeeze %dma_wait3A_298 : memref<1x200x64xf32, #tpu.memory_space<hbm>> -> memref<200x64xf32, #tpu.memory_space<hbm>>
          %dma_wait3A_300 = arith.constant 0 : i32
          %dma_wait3A_301 = arith.constant 0 : i32
          %dma_wait3A_302 = tpu.memref_slice %arg4[%add3A_295, %dma_wait3A_300, %dma_wait3A_301] : memref<4096x200x64xf32, #tpu.memory_space<hbm>> -> memref<1x200x64xf32, #tpu.memory_space<hbm>>
          %dma_wait3A_303 = tpu.memref_squeeze %dma_wait3A_302 : memref<1x200x64xf32, #tpu.memory_space<hbm>> -> memref<200x64xf32, #tpu.memory_space<hbm>>
          tpu.wait_dma2 semaphore(%arg10 : memref<!tpu.dma_semaphore, #tpu.memory_space<semaphore_mem>>) src(%arg6 : memref<200x64xf32, #tpu.memory_space<vmem>>) dst(%dma_wait3A_303 : memref<200x64xf32, #tpu.memory_space<hbm>>)
        } else {
        }
        %add3A_182 = arith.constant 1 : i32
        %add3A_183 = arith.addi %add3A_155, %add3A_182 : i32
        %mul3A_184 = arith.constant 200 : i32
        %mul3A_185 = arith.muli %add3A_183, %mul3A_184 : i32
        %scan3A_186 = arith.constant 0 : i32
        %scan3A_187 = arith.constant 12 : i32
        %scan3A_188 = arith.addi %scan3A_186, %scan3A_187 : i32
        %scan3A_189 = arith.constant 1 : i32
        scf.for %scan3A_293 = %scan3A_186 to %scan3A_188 step %scan3A_189  : i32 {
          %mul3A_294 = arith.constant 16 : i32
          %mul3A_295 = arith.muli %scan3A_293, %mul3A_294 : i32
          %add3A_296 = arith.constant 0 : i32
          %add3A_297 = arith.addi %add3A_296, %mul3A_295 : i32
          %add3A_298 = arith.addi %mul3A_185, %add3A_297 : i32
          %get3A_299 = arith.index_cast %add3A_298 : i32 to index
          %get3A_300 = tpu.vector_load %arg5[%get3A_299] {strides = array<i32>} : memref<25600xi32, #tpu.memory_space<vmem>>, vector<16xi32>,
          %get3A_301 = vector.shape_cast %get3A_300 : vector<16xi32> to vector<16xi32>
          %slice3A_302 = vector.extract_strided_slice %get3A_301 {offsets = [0], sizes = [1], strides = [1]} : vector<16xi32> to vector<1xi32>
          %squeeze3A_303 = vector.extract %slice3A_302[0] : i32 from vector<1xi32>
          %add3A_304 = arith.constant 0 : i32
          %add3A_305 = arith.addi %add3A_297, %add3A_304 : i32
          %dma_start3A_306 = arith.constant 0 : i32
          %dma_start3A_307 = tpu.memref_slice %arg6[%add3A_305, %dma_start3A_306] : memref<200x64xf32, #tpu.memory_space<vmem>> -> memref<1x64xf32, #tpu.memory_space<vmem>>
          %dma_start3A_308 = arith.constant 0 : i32
          %dma_start3A_309 = tpu.memref_slice %arg3[%squeeze3A_303, %dma_start3A_308] : memref<1000000x64xf32, #tpu.memory_space<hbm>> -> memref<1x64xf32, #tpu.memory_space<hbm>>
          %dma_start3A_310 = arith.constant 0 : i32
          %dma_start3A_311 = tpu.memref_slice %arg6[%add3A_305, %dma_start3A_310] : memref<200x64xf32, #tpu.memory_space<vmem>> -> memref<1x64xf32, #tpu.memory_space<vmem>>
          %dma_start3A_312 = arith.constant 0 : i32
          %dma_start3A_313 = tpu.memref_slice %arg3[%squeeze3A_303, %dma_start3A_312] : memref<1000000x64xf32, #tpu.memory_space<hbm>> -> memref<1x64xf32, #tpu.memory_space<hbm>>
          tpu.enqueue_dma source(%dma_start3A_313 : memref<1x64xf32, #tpu.memory_space<hbm>>) target(%dma_start3A_311 : memref<1x64xf32, #tpu.memory_space<vmem>>) target_semaphore(%arg8 : memref<!tpu.dma_semaphore, #tpu.memory_space<semaphore_mem>>)
          %slice3A_314 = vector.extract_strided_slice %get3A_301 {offsets = [1], sizes = [1], strides = [1]} : vector<16xi32> to vector<1xi32>
          %squeeze3A_315 = vector.extract %slice3A_314[0] : i32 from vector<1xi32>
          %add3A_316 = arith.constant 1 : i32
          %add3A_317 = arith.addi %add3A_297, %add3A_316 : i32
          %dma_start3A_318 = arith.constant 0 : i32
          %dma_start3A_319 = tpu.memref_slice %arg6[%add3A_317, %dma_start3A_318] : memref<200x64xf32, #tpu.memory_space<vmem>> -> memref<1x64xf32, #tpu.memory_space<vmem>>
          %dma_start3A_320 = arith.constant 0 : i32
          %dma_start3A_321 = tpu.memref_slice %arg3[%squeeze3A_315, %dma_start3A_320] : memref<1000000x64xf32, #tpu.memory_space<hbm>> -> memref<1x64xf32, #tpu.memory_space<hbm>>
          %dma_start3A_322 = arith.constant 0 : i32
          %dma_start3A_323 = tpu.memref_slice %arg6[%add3A_317, %dma_start3A_322] : memref<200x64xf32, #tpu.memory_space<vmem>> -> memref<1x64xf32, #tpu.memory_space<vmem>>
          %dma_start3A_324 = arith.constant 0 : i32
          %dma_start3A_325 = tpu.memref_slice %arg3[%squeeze3A_315, %dma_start3A_324] : memref<1000000x64xf32, #tpu.memory_space<hbm>> -> memref<1x64xf32, #tpu.memory_space<hbm>>
          tpu.enqueue_dma source(%dma_start3A_325 : memref<1x64xf32, #tpu.memory_space<hbm>>) target(%dma_start3A_323 : memref<1x64xf32, #tpu.memory_space<vmem>>) target_semaphore(%arg8 : memref<!tpu.dma_semaphore, #tpu.memory_space<semaphore_mem>>)
          %slice3A_326 = vector.extract_strided_slice %get3A_301 {offsets = [2], sizes = [1], strides = [1]} : vector<16xi32> to vector<1xi32>
          %squeeze3A_327 = vector.extract %slice3A_326[0] : i32 from vector<1xi32>
          %add3A_328 = arith.constant 2 : i32
          %add3A_329 = arith.addi %add3A_297, %add3A_328 : i32
          %dma_start3A_330 = arith.constant 0 : i32
          %dma_start3A_331 = tpu.memref_slice %arg6[%add3A_329, %dma_start3A_330] : memref<200x64xf32, #tpu.memory_space<vmem>> -> memref<1x64xf32, #tpu.memory_space<vmem>>
          %dma_start3A_332 = arith.constant 0 : i32
          %dma_start3A_333 = tpu.memref_slice %arg3[%squeeze3A_327, %dma_start3A_332] : memref<1000000x64xf32, #tpu.memory_space<hbm>> -> memref<1x64xf32, #tpu.memory_space<hbm>>
          %dma_start3A_334 = arith.constant 0 : i32
          %dma_start3A_335 = tpu.memref_slice %arg6[%add3A_329, %dma_start3A_334] : memref<200x64xf32, #tpu.memory_space<vmem>> -> memref<1x64xf32, #tpu.memory_space<vmem>>
          %dma_start3A_336 = arith.constant 0 : i32
          %dma_start3A_337 = tpu.memref_slice %arg3[%squeeze3A_327, %dma_start3A_336] : memref<1000000x64xf32, #tpu.memory_space<hbm>> -> memref<1x64xf32, #tpu.memory_space<hbm>>
          tpu.enqueue_dma source(%dma_start3A_337 : memref<1x64xf32, #tpu.memory_space<hbm>>) target(%dma_start3A_335 : memref<1x64xf32, #tpu.memory_space<vmem>>) target_semaphore(%arg8 : memref<!tpu.dma_semaphore, #tpu.memory_space<semaphore_mem>>)
          %slice3A_338 = vector.extract_strided_slice %get3A_301 {offsets = [3], sizes = [1], strides = [1]} : vector<16xi32> to vector<1xi32>
          %squeeze3A_339 = vector.extract %slice3A_338[0] : i32 from vector<1xi32>
          %add3A_340 = arith.constant 3 : i32
          %add3A_341 = arith.addi %add3A_297, %add3A_340 : i32
          %dma_start3A_342 = arith.constant 0 : i32
          %dma_start3A_343 = tpu.memref_slice %arg6[%add3A_341, %dma_start3A_342] : memref<200x64xf32, #tpu.memory_space<vmem>> -> memref<1x64xf32, #tpu.memory_space<vmem>>
          %dma_start3A_344 = arith.constant 0 : i32
          %dma_start3A_345 = tpu.memref_slice %arg3[%squeeze3A_339, %dma_start3A_344] : memref<1000000x64xf32, #tpu.memory_space<hbm>> -> memref<1x64xf32, #tpu.memory_space<hbm>>
          %dma_start3A_346 = arith.constant 0 : i32
          %dma_start3A_347 = tpu.memref_slice %arg6[%add3A_341, %dma_start3A_346] : memref<200x64xf32, #tpu.memory_space<vmem>> -> memref<1x64xf32, #tpu.memory_space<vmem>>
          %dma_start3A_348 = arith.constant 0 : i32
          %dma_start3A_349 = tpu.memref_slice %arg3[%squeeze3A_339, %dma_start3A_348] : memref<1000000x64xf32, #tpu.memory_space<hbm>> -> memref<1x64xf32, #tpu.memory_space<hbm>>
          tpu.enqueue_dma source(%dma_start3A_349 : memref<1x64xf32, #tpu.memory_space<hbm>>) target(%dma_start3A_347 : memref<1x64xf32, #tpu.memory_space<vmem>>) target_semaphore(%arg8 : memref<!tpu.dma_semaphore, #tpu.memory_space<semaphore_mem>>)
          %slice3A_350 = vector.extract_strided_slice %get3A_301 {offsets = [4], sizes = [1], strides = [1]} : vector<16xi32> to vector<1xi32>
          %squeeze3A_351 = vector.extract %slice3A_350[0] : i32 from vector<1xi32>
          %add3A_352 = arith.constant 4 : i32
          %add3A_353 = arith.addi %add3A_297, %add3A_352 : i32
          %dma_start3A_354 = arith.constant 0 : i32
          %dma_start3A_355 = tpu.memref_slice %arg6[%add3A_353, %dma_start3A_354] : memref<200x64xf32, #tpu.memory_space<vmem>> -> memref<1x64xf32, #tpu.memory_space<vmem>>
          %dma_start3A_356 = arith.constant 0 : i32
          %dma_start3A_357 = tpu.memref_slice %arg3[%squeeze3A_351, %dma_start3A_356] : memref<1000000x64xf32, #tpu.memory_space<hbm>> -> memref<1x64xf32, #tpu.memory_space<hbm>>
          %dma_start3A_358 = arith.constant 0 : i32
          %dma_start3A_359 = tpu.memref_slice %arg6[%add3A_353, %dma_start3A_358] : memref<200x64xf32, #tpu.memory_space<vmem>> -> memref<1x64xf32, #tpu.memory_space<vmem>>
          %dma_start3A_360 = arith.constant 0 : i32
          %dma_start3A_361 = tpu.memref_slice %arg3[%squeeze3A_351, %dma_start3A_360] : memref<1000000x64xf32, #tpu.memory_space<hbm>> -> memref<1x64xf32, #tpu.memory_space<hbm>>
          tpu.enqueue_dma source(%dma_start3A_361 : memref<1x64xf32, #tpu.memory_space<hbm>>) target(%dma_start3A_359 : memref<1x64xf32, #tpu.memory_space<vmem>>) target_semaphore(%arg8 : memref<!tpu.dma_semaphore, #tpu.memory_space<semaphore_mem>>)
          %slice3A_362 = vector.extract_strided_slice %get3A_301 {offsets = [5], sizes = [1], strides = [1]} : vector<16xi32> to vector<1xi32>
          %squeeze3A_363 = vector.extract %slice3A_362[0] : i32 from vector<1xi32>
          %add3A_364 = arith.constant 5 : i32
          %add3A_365 = arith.addi %add3A_297, %add3A_364 : i32
          %dma_start3A_366 = arith.constant 0 : i32
          %dma_start3A_367 = tpu.memref_slice %arg6[%add3A_365, %dma_start3A_366] : memref<200x64xf32, #tpu.memory_space<vmem>> -> memref<1x64xf32, #tpu.memory_space<vmem>>
          %dma_start3A_368 = arith.constant 0 : i32
          %dma_start3A_369 = tpu.memref_slice %arg3[%squeeze3A_363, %dma_start3A_368] : memref<1000000x64xf32, #tpu.memory_space<hbm>> -> memref<1x64xf32, #tpu.memory_space<hbm>>
          %dma_start3A_370 = arith.constant 0 : i32
          %dma_start3A_371 = tpu.memref_slice %arg6[%add3A_365, %dma_start3A_370] : memref<200x64xf32, #tpu.memory_space<vmem>> -> memref<1x64xf32, #tpu.memory_space<vmem>>
          %dma_start3A_372 = arith.constant 0 : i32
          %dma_start3A_373 = tpu.memref_slice %arg3[%squeeze3A_363, %dma_start3A_372] : memref<1000000x64xf32, #tpu.memory_space<hbm>> -> memref<1x64xf32, #tpu.memory_space<hbm>>
          tpu.enqueue_dma source(%dma_start3A_373 : memref<1x64xf32, #tpu.memory_space<hbm>>) target(%dma_start3A_371 : memref<1x64xf32, #tpu.memory_space<vmem>>) target_semaphore(%arg8 : memref<!tpu.dma_semaphore, #tpu.memory_space<semaphore_mem>>)
          %slice3A_374 = vector.extract_strided_slice %get3A_301 {offsets = [6], sizes = [1], strides = [1]} : vector<16xi32> to vector<1xi32>
          %squeeze3A_375 = vector.extract %slice3A_374[0] : i32 from vector<1xi32>
          %add3A_376 = arith.constant 6 : i32
          %add3A_377 = arith.addi %add3A_297, %add3A_376 : i32
          %dma_start3A_378 = arith.constant 0 : i32
          %dma_start3A_379 = tpu.memref_slice %arg6[%add3A_377, %dma_start3A_378] : memref<200x64xf32, #tpu.memory_space<vmem>> -> memref<1x64xf32, #tpu.memory_space<vmem>>
          %dma_start3A_380 = arith.constant 0 : i32
          %dma_start3A_381 = tpu.memref_slice %arg3[%squeeze3A_375, %dma_start3A_380] : memref<1000000x64xf32, #tpu.memory_space<hbm>> -> memref<1x64xf32, #tpu.memory_space<hbm>>
          %dma_start3A_382 = arith.constant 0 : i32
          %dma_start3A_383 = tpu.memref_slice %arg6[%add3A_377, %dma_start3A_382] : memref<200x64xf32, #tpu.memory_space<vmem>> -> memref<1x64xf32, #tpu.memory_space<vmem>>
          %dma_start3A_384 = arith.constant 0 : i32
          %dma_start3A_385 = tpu.memref_slice %arg3[%squeeze3A_375, %dma_start3A_384] : memref<1000000x64xf32, #tpu.memory_space<hbm>> -> memref<1x64xf32, #tpu.memory_space<hbm>>
          tpu.enqueue_dma source(%dma_start3A_385 : memref<1x64xf32, #tpu.memory_space<hbm>>) target(%dma_start3A_383 : memref<1x64xf32, #tpu.memory_space<vmem>>) target_semaphore(%arg8 : memref<!tpu.dma_semaphore, #tpu.memory_space<semaphore_mem>>)
          %slice3A_386 = vector.extract_strided_slice %get3A_301 {offsets = [7], sizes = [1], strides = [1]} : vector<16xi32> to vector<1xi32>
          %squeeze3A_387 = vector.extract %slice3A_386[0] : i32 from vector<1xi32>
          %add3A_388 = arith.constant 7 : i32
          %add3A_389 = arith.addi %add3A_297, %add3A_388 : i32
          %dma_start3A_390 = arith.constant 0 : i32
          %dma_start3A_391 = tpu.memref_slice %arg6[%add3A_389, %dma_start3A_390] : memref<200x64xf32, #tpu.memory_space<vmem>> -> memref<1x64xf32, #tpu.memory_space<vmem>>
          %dma_start3A_392 = arith.constant 0 : i32
          %dma_start3A_393 = tpu.memref_slice %arg3[%squeeze3A_387, %dma_start3A_392] : memref<1000000x64xf32, #tpu.memory_space<hbm>> -> memref<1x64xf32, #tpu.memory_space<hbm>>
          %dma_start3A_394 = arith.constant 0 : i32
          %dma_start3A_395 = tpu.memref_slice %arg6[%add3A_389, %dma_start3A_394] : memref<200x64xf32, #tpu.memory_space<vmem>> -> memref<1x64xf32, #tpu.memory_space<vmem>>
          %dma_start3A_396 = arith.constant 0 : i32
          %dma_start3A_397 = tpu.memref_slice %arg3[%squeeze3A_387, %dma_start3A_396] : memref<1000000x64xf32, #tpu.memory_space<hbm>> -> memref<1x64xf32, #tpu.memory_space<hbm>>
          tpu.enqueue_dma source(%dma_start3A_397 : memref<1x64xf32, #tpu.memory_space<hbm>>) target(%dma_start3A_395 : memref<1x64xf32, #tpu.memory_space<vmem>>) target_semaphore(%arg8 : memref<!tpu.dma_semaphore, #tpu.memory_space<semaphore_mem>>)
          %slice3A_398 = vector.extract_strided_slice %get3A_301 {offsets = [8], sizes = [1], strides = [1]} : vector<16xi32> to vector<1xi32>
          %squeeze3A_399 = vector.extract %slice3A_398[0] : i32 from vector<1xi32>
          %add3A_400 = arith.constant 8 : i32
          %add3A_401 = arith.addi %add3A_297, %add3A_400 : i32
          %dma_start3A_402 = arith.constant 0 : i32
          %dma_start3A_403 = tpu.memref_slice %arg6[%add3A_401, %dma_start3A_402] : memref<200x64xf32, #tpu.memory_space<vmem>> -> memref<1x64xf32, #tpu.memory_space<vmem>>
          %dma_start3A_404 = arith.constant 0 : i32
          %dma_start3A_405 = tpu.memref_slice %arg3[%squeeze3A_399, %dma_start3A_404] : memref<1000000x64xf32, #tpu.memory_space<hbm>> -> memref<1x64xf32, #tpu.memory_space<hbm>>
          %dma_start3A_406 = arith.constant 0 : i32
          %dma_start3A_407 = tpu.memref_slice %arg6[%add3A_401, %dma_start3A_406] : memref<200x64xf32, #tpu.memory_space<vmem>> -> memref<1x64xf32, #tpu.memory_space<vmem>>
          %dma_start3A_408 = arith.constant 0 : i32
          %dma_start3A_409 = tpu.memref_slice %arg3[%squeeze3A_399, %dma_start3A_408] : memref<1000000x64xf32, #tpu.memory_space<hbm>> -> memref<1x64xf32, #tpu.memory_space<hbm>>
          tpu.enqueue_dma source(%dma_start3A_409 : memref<1x64xf32, #tpu.memory_space<hbm>>) target(%dma_start3A_407 : memref<1x64xf32, #tpu.memory_space<vmem>>) target_semaphore(%arg8 : memref<!tpu.dma_semaphore, #tpu.memory_space<semaphore_mem>>)
          %slice3A_410 = vector.extract_strided_slice %get3A_301 {offsets = [9], sizes = [1], strides = [1]} : vector<16xi32> to vector<1xi32>
          %squeeze3A_411 = vector.extract %slice3A_410[0] : i32 from vector<1xi32>
          %add3A_412 = arith.constant 9 : i32
          %add3A_413 = arith.addi %add3A_297, %add3A_412 : i32
          %dma_start3A_414 = arith.constant 0 : i32
          %dma_start3A_415 = tpu.memref_slice %arg6[%add3A_413, %dma_start3A_414] : memref<200x64xf32, #tpu.memory_space<vmem>> -> memref<1x64xf32, #tpu.memory_space<vmem>>
          %dma_start3A_416 = arith.constant 0 : i32
          %dma_start3A_417 = tpu.memref_slice %arg3[%squeeze3A_411, %dma_start3A_416] : memref<1000000x64xf32, #tpu.memory_space<hbm>> -> memref<1x64xf32, #tpu.memory_space<hbm>>
          %dma_start3A_418 = arith.constant 0 : i32
          %dma_start3A_419 = tpu.memref_slice %arg6[%add3A_413, %dma_start3A_418] : memref<200x64xf32, #tpu.memory_space<vmem>> -> memref<1x64xf32, #tpu.memory_space<vmem>>
          %dma_start3A_420 = arith.constant 0 : i32
          %dma_start3A_421 = tpu.memref_slice %arg3[%squeeze3A_411, %dma_start3A_420] : memref<1000000x64xf32, #tpu.memory_space<hbm>> -> memref<1x64xf32, #tpu.memory_space<hbm>>
          tpu.enqueue_dma source(%dma_start3A_421 : memref<1x64xf32, #tpu.memory_space<hbm>>) target(%dma_start3A_419 : memref<1x64xf32, #tpu.memory_space<vmem>>) target_semaphore(%arg8 : memref<!tpu.dma_semaphore, #tpu.memory_space<semaphore_mem>>)
          %slice3A_422 = vector.extract_strided_slice %get3A_301 {offsets = [10], sizes = [1], strides = [1]} : vector<16xi32> to vector<1xi32>
          %squeeze3A_423 = vector.extract %slice3A_422[0] : i32 from vector<1xi32>
          %add3A_424 = arith.constant 10 : i32
          %add3A_425 = arith.addi %add3A_297, %add3A_424 : i32
          %dma_start3A_426 = arith.constant 0 : i32
          %dma_start3A_427 = tpu.memref_slice %arg6[%add3A_425, %dma_start3A_426] : memref<200x64xf32, #tpu.memory_space<vmem>> -> memref<1x64xf32, #tpu.memory_space<vmem>>
          %dma_start3A_428 = arith.constant 0 : i32
          %dma_start3A_429 = tpu.memref_slice %arg3[%squeeze3A_423, %dma_start3A_428] : memref<1000000x64xf32, #tpu.memory_space<hbm>> -> memref<1x64xf32, #tpu.memory_space<hbm>>
          %dma_start3A_430 = arith.constant 0 : i32
          %dma_start3A_431 = tpu.memref_slice %arg6[%add3A_425, %dma_start3A_430] : memref<200x64xf32, #tpu.memory_space<vmem>> -> memref<1x64xf32, #tpu.memory_space<vmem>>
          %dma_start3A_432 = arith.constant 0 : i32
          %dma_start3A_433 = tpu.memref_slice %arg3[%squeeze3A_423, %dma_start3A_432] : memref<1000000x64xf32, #tpu.memory_space<hbm>> -> memref<1x64xf32, #tpu.memory_space<hbm>>
          tpu.enqueue_dma source(%dma_start3A_433 : memref<1x64xf32, #tpu.memory_space<hbm>>) target(%dma_start3A_431 : memref<1x64xf32, #tpu.memory_space<vmem>>) target_semaphore(%arg8 : memref<!tpu.dma_semaphore, #tpu.memory_space<semaphore_mem>>)
          %slice3A_434 = vector.extract_strided_slice %get3A_301 {offsets = [11], sizes = [1], strides = [1]} : vector<16xi32> to vector<1xi32>
          %squeeze3A_435 = vector.extract %slice3A_434[0] : i32 from vector<1xi32>
          %add3A_436 = arith.constant 11 : i32
          %add3A_437 = arith.addi %add3A_297, %add3A_436 : i32
          %dma_start3A_438 = arith.constant 0 : i32
          %dma_start3A_439 = tpu.memref_slice %arg6[%add3A_437, %dma_start3A_438] : memref<200x64xf32, #tpu.memory_space<vmem>> -> memref<1x64xf32, #tpu.memory_space<vmem>>
          %dma_start3A_440 = arith.constant 0 : i32
          %dma_start3A_441 = tpu.memref_slice %arg3[%squeeze3A_435, %dma_start3A_440] : memref<1000000x64xf32, #tpu.memory_space<hbm>> -> memref<1x64xf32, #tpu.memory_space<hbm>>
          %dma_start3A_442 = arith.constant 0 : i32
          %dma_start3A_443 = tpu.memref_slice %arg6[%add3A_437, %dma_start3A_442] : memref<200x64xf32, #tpu.memory_space<vmem>> -> memref<1x64xf32, #tpu.memory_space<vmem>>
          %dma_start3A_444 = arith.constant 0 : i32
          %dma_start3A_445 = tpu.memref_slice %arg3[%squeeze3A_435, %dma_start3A_444] : memref<1000000x64xf32, #tpu.memory_space<hbm>> -> memref<1x64xf32, #tpu.memory_space<hbm>>
          tpu.enqueue_dma source(%dma_start3A_445 : memref<1x64xf32, #tpu.memory_space<hbm>>) target(%dma_start3A_443 : memref<1x64xf32, #tpu.memory_space<vmem>>) target_semaphore(%arg8 : memref<!tpu.dma_semaphore, #tpu.memory_space<semaphore_mem>>)
          %slice3A_446 = vector.extract_strided_slice %get3A_301 {offsets = [12], sizes = [1], strides = [1]} : vector<16xi32> to vector<1xi32>
          %squeeze3A_447 = vector.extract %slice3A_446[0] : i32 from vector<1xi32>
          %add3A_448 = arith.constant 12 : i32
          %add3A_449 = arith.addi %add3A_297, %add3A_448 : i32
          %dma_start3A_450 = arith.constant 0 : i32
          %dma_start3A_451 = tpu.memref_slice %arg6[%add3A_449, %dma_start3A_450] : memref<200x64xf32, #tpu.memory_space<vmem>> -> memref<1x64xf32, #tpu.memory_space<vmem>>
          %dma_start3A_452 = arith.constant 0 : i32
          %dma_start3A_453 = tpu.memref_slice %arg3[%squeeze3A_447, %dma_start3A_452] : memref<1000000x64xf32, #tpu.memory_space<hbm>> -> memref<1x64xf32, #tpu.memory_space<hbm>>
          %dma_start3A_454 = arith.constant 0 : i32
          %dma_start3A_455 = tpu.memref_slice %arg6[%add3A_449, %dma_start3A_454] : memref<200x64xf32, #tpu.memory_space<vmem>> -> memref<1x64xf32, #tpu.memory_space<vmem>>
          %dma_start3A_456 = arith.constant 0 : i32
          %dma_start3A_457 = tpu.memref_slice %arg3[%squeeze3A_447, %dma_start3A_456] : memref<1000000x64xf32, #tpu.memory_space<hbm>> -> memref<1x64xf32, #tpu.memory_space<hbm>>
          tpu.enqueue_dma source(%dma_start3A_457 : memref<1x64xf32, #tpu.memory_space<hbm>>) target(%dma_start3A_455 : memref<1x64xf32, #tpu.memory_space<vmem>>) target_semaphore(%arg8 : memref<!tpu.dma_semaphore, #tpu.memory_space<semaphore_mem>>)
          %slice3A_458 = vector.extract_strided_slice %get3A_301 {offsets = [13], sizes = [1], strides = [1]} : vector<16xi32> to vector<1xi32>
          %squeeze3A_459 = vector.extract %slice3A_458[0] : i32 from vector<1xi32>
          %add3A_460 = arith.constant 13 : i32
          %add3A_461 = arith.addi %add3A_297, %add3A_460 : i32
          %dma_start3A_462 = arith.constant 0 : i32
          %dma_start3A_463 = tpu.memref_slice %arg6[%add3A_461, %dma_start3A_462] : memref<200x64xf32, #tpu.memory_space<vmem>> -> memref<1x64xf32, #tpu.memory_space<vmem>>
          %dma_start3A_464 = arith.constant 0 : i32
          %dma_start3A_465 = tpu.memref_slice %arg3[%squeeze3A_459, %dma_start3A_464] : memref<1000000x64xf32, #tpu.memory_space<hbm>> -> memref<1x64xf32, #tpu.memory_space<hbm>>
          %dma_start3A_466 = arith.constant 0 : i32
          %dma_start3A_467 = tpu.memref_slice %arg6[%add3A_461, %dma_start3A_466] : memref<200x64xf32, #tpu.memory_space<vmem>> -> memref<1x64xf32, #tpu.memory_space<vmem>>
          %dma_start3A_468 = arith.constant 0 : i32
          %dma_start3A_469 = tpu.memref_slice %arg3[%squeeze3A_459, %dma_start3A_468] : memref<1000000x64xf32, #tpu.memory_space<hbm>> -> memref<1x64xf32, #tpu.memory_space<hbm>>
          tpu.enqueue_dma source(%dma_start3A_469 : memref<1x64xf32, #tpu.memory_space<hbm>>) target(%dma_start3A_467 : memref<1x64xf32, #tpu.memory_space<vmem>>) target_semaphore(%arg8 : memref<!tpu.dma_semaphore, #tpu.memory_space<semaphore_mem>>)
          %slice3A_470 = vector.extract_strided_slice %get3A_301 {offsets = [14], sizes = [1], strides = [1]} : vector<16xi32> to vector<1xi32>
          %squeeze3A_471 = vector.extract %slice3A_470[0] : i32 from vector<1xi32>
          %add3A_472 = arith.constant 14 : i32
          %add3A_473 = arith.addi %add3A_297, %add3A_472 : i32
          %dma_start3A_474 = arith.constant 0 : i32
          %dma_start3A_475 = tpu.memref_slice %arg6[%add3A_473, %dma_start3A_474] : memref<200x64xf32, #tpu.memory_space<vmem>> -> memref<1x64xf32, #tpu.memory_space<vmem>>
          %dma_start3A_476 = arith.constant 0 : i32
          %dma_start3A_477 = tpu.memref_slice %arg3[%squeeze3A_471, %dma_start3A_476] : memref<1000000x64xf32, #tpu.memory_space<hbm>> -> memref<1x64xf32, #tpu.memory_space<hbm>>
          %dma_start3A_478 = arith.constant 0 : i32
          %dma_start3A_479 = tpu.memref_slice %arg6[%add3A_473, %dma_start3A_478] : memref<200x64xf32, #tpu.memory_space<vmem>> -> memref<1x64xf32, #tpu.memory_space<vmem>>
          %dma_start3A_480 = arith.constant 0 : i32
          %dma_start3A_481 = tpu.memref_slice %arg3[%squeeze3A_471, %dma_start3A_480] : memref<1000000x64xf32, #tpu.memory_space<hbm>> -> memref<1x64xf32, #tpu.memory_space<hbm>>
          tpu.enqueue_dma source(%dma_start3A_481 : memref<1x64xf32, #tpu.memory_space<hbm>>) target(%dma_start3A_479 : memref<1x64xf32, #tpu.memory_space<vmem>>) target_semaphore(%arg8 : memref<!tpu.dma_semaphore, #tpu.memory_space<semaphore_mem>>)
          %slice3A_482 = vector.extract_strided_slice %get3A_301 {offsets = [15], sizes = [1], strides = [1]} : vector<16xi32> to vector<1xi32>
          %squeeze3A_483 = vector.extract %slice3A_482[0] : i32 from vector<1xi32>
          %add3A_484 = arith.constant 15 : i32
          %add3A_485 = arith.addi %add3A_297, %add3A_484 : i32
          %dma_start3A_486 = arith.constant 0 : i32
          %dma_start3A_487 = tpu.memref_slice %arg6[%add3A_485, %dma_start3A_486] : memref<200x64xf32, #tpu.memory_space<vmem>> -> memref<1x64xf32, #tpu.memory_space<vmem>>
          %dma_start3A_488 = arith.constant 0 : i32
          %dma_start3A_489 = tpu.memref_slice %arg3[%squeeze3A_483, %dma_start3A_488] : memref<1000000x64xf32, #tpu.memory_space<hbm>> -> memref<1x64xf32, #tpu.memory_space<hbm>>
          %dma_start3A_490 = arith.constant 0 : i32
          %dma_start3A_491 = tpu.memref_slice %arg6[%add3A_485, %dma_start3A_490] : memref<200x64xf32, #tpu.memory_space<vmem>> -> memref<1x64xf32, #tpu.memory_space<vmem>>
          %dma_start3A_492 = arith.constant 0 : i32
          %dma_start3A_493 = tpu.memref_slice %arg3[%squeeze3A_483, %dma_start3A_492] : memref<1000000x64xf32, #tpu.memory_space<hbm>> -> memref<1x64xf32, #tpu.memory_space<hbm>>
          tpu.enqueue_dma source(%dma_start3A_493 : memref<1x64xf32, #tpu.memory_space<hbm>>) target(%dma_start3A_491 : memref<1x64xf32, #tpu.memory_space<vmem>>) target_semaphore(%arg8 : memref<!tpu.dma_semaphore, #tpu.memory_space<semaphore_mem>>)
        }
        %scan3A_190 = arith.constant 12 : i32
        %add3A_191 = arith.constant 200 : i32
        %add3A_192 = arith.addi %mul3A_185, %add3A_191 : i32
        %sub3A = arith.constant 16 : i32
        %sub3A_193 = arith.subi %add3A_192, %sub3A : i32
        %get3A_194 = arith.index_cast %sub3A_193 : i32 to index
        %get3A_195 = tpu.vector_load %arg5[%get3A_194] {strides = array<i32>} : memref<25600xi32, #tpu.memory_space<vmem>>, vector<16xi32>,
        %get3A_196 = vector.shape_cast %get3A_195 : vector<16xi32> to vector<16xi32>
        %slice3A_197 = vector.extract_strided_slice %get3A_196 {offsets = [8], sizes = [1], strides = [1]} : vector<16xi32> to vector<1xi32>
        %squeeze3A_198 = vector.extract %slice3A_197[0] : i32 from vector<1xi32>
        %dma_start3A_199 = arith.constant 192 : i32
        %dma_start3A_200 = arith.constant 0 : i32
        %dma_start3A_201 = tpu.memref_slice %arg6[%dma_start3A_199, %dma_start3A_200] : memref<200x64xf32, #tpu.memory_space<vmem>> -> memref<1x64xf32, #tpu.memory_space<vmem>>
        %dma_start3A_202 = arith.constant 0 : i32
        %dma_start3A_203 = tpu.memref_slice %arg3[%squeeze3A_198, %dma_start3A_202] : memref<1000000x64xf32, #tpu.memory_space<hbm>> -> memref<1x64xf32, #tpu.memory_space<hbm>>
        %dma_start3A_204 = arith.constant 192 : i32
        %dma_start3A_205 = arith.constant 0 : i32
        %dma_start3A_206 = tpu.memref_slice %arg6[%dma_start3A_204, %dma_start3A_205] : memref<200x64xf32, #tpu.memory_space<vmem>> -> memref<1x64xf32, #tpu.memory_space<vmem>>
        %dma_start3A_207 = arith.constant 0 : i32
        %dma_start3A_208 = tpu.memref_slice %arg3[%squeeze3A_198, %dma_start3A_207] : memref<1000000x64xf32, #tpu.memory_space<hbm>> -> memref<1x64xf32, #tpu.memory_space<hbm>>
        tpu.enqueue_dma source(%dma_start3A_208 : memref<1x64xf32, #tpu.memory_space<hbm>>) target(%dma_start3A_206 : memref<1x64xf32, #tpu.memory_space<vmem>>) target_semaphore(%arg8 : memref<!tpu.dma_semaphore, #tpu.memory_space<semaphore_mem>>)
        %slice3A_209 = vector.extract_strided_slice %get3A_196 {offsets = [9], sizes = [1], strides = [1]} : vector<16xi32> to vector<1xi32>
        %squeeze3A_210 = vector.extract %slice3A_209[0] : i32 from vector<1xi32>
        %dma_start3A_211 = arith.constant 193 : i32
        %dma_start3A_212 = arith.constant 0 : i32
        %dma_start3A_213 = tpu.memref_slice %arg6[%dma_start3A_211, %dma_start3A_212] : memref<200x64xf32, #tpu.memory_space<vmem>> -> memref<1x64xf32, #tpu.memory_space<vmem>>
        %dma_start3A_214 = arith.constant 0 : i32
        %dma_start3A_215 = tpu.memref_slice %arg3[%squeeze3A_210, %dma_start3A_214] : memref<1000000x64xf32, #tpu.memory_space<hbm>> -> memref<1x64xf32, #tpu.memory_space<hbm>>
        %dma_start3A_216 = arith.constant 193 : i32
        %dma_start3A_217 = arith.constant 0 : i32
        %dma_start3A_218 = tpu.memref_slice %arg6[%dma_start3A_216, %dma_start3A_217] : memref<200x64xf32, #tpu.memory_space<vmem>> -> memref<1x64xf32, #tpu.memory_space<vmem>>
        %dma_start3A_219 = arith.constant 0 : i32
        %dma_start3A_220 = tpu.memref_slice %arg3[%squeeze3A_210, %dma_start3A_219] : memref<1000000x64xf32, #tpu.memory_space<hbm>> -> memref<1x64xf32, #tpu.memory_space<hbm>>
        tpu.enqueue_dma source(%dma_start3A_220 : memref<1x64xf32, #tpu.memory_space<hbm>>) target(%dma_start3A_218 : memref<1x64xf32, #tpu.memory_space<vmem>>) target_semaphore(%arg8 : memref<!tpu.dma_semaphore, #tpu.memory_space<semaphore_mem>>)
        %slice3A_221 = vector.extract_strided_slice %get3A_196 {offsets = [10], sizes = [1], strides = [1]} : vector<16xi32> to vector<1xi32>
        %squeeze3A_222 = vector.extract %slice3A_221[0] : i32 from vector<1xi32>
        %dma_start3A_223 = arith.constant 194 : i32
        %dma_start3A_224 = arith.constant 0 : i32
        %dma_start3A_225 = tpu.memref_slice %arg6[%dma_start3A_223, %dma_start3A_224] : memref<200x64xf32, #tpu.memory_space<vmem>> -> memref<1x64xf32, #tpu.memory_space<vmem>>
        %dma_start3A_226 = arith.constant 0 : i32
        %dma_start3A_227 = tpu.memref_slice %arg3[%squeeze3A_222, %dma_start3A_226] : memref<1000000x64xf32, #tpu.memory_space<hbm>> -> memref<1x64xf32, #tpu.memory_space<hbm>>
        %dma_start3A_228 = arith.constant 194 : i32
        %dma_start3A_229 = arith.constant 0 : i32
        %dma_start3A_230 = tpu.memref_slice %arg6[%dma_start3A_228, %dma_start3A_229] : memref<200x64xf32, #tpu.memory_space<vmem>> -> memref<1x64xf32, #tpu.memory_space<vmem>>
        %dma_start3A_231 = arith.constant 0 : i32
        %dma_start3A_232 = tpu.memref_slice %arg3[%squeeze3A_222, %dma_start3A_231] : memref<1000000x64xf32, #tpu.memory_space<hbm>> -> memref<1x64xf32, #tpu.memory_space<hbm>>
        tpu.enqueue_dma source(%dma_start3A_232 : memref<1x64xf32, #tpu.memory_space<hbm>>) target(%dma_start3A_230 : memref<1x64xf32, #tpu.memory_space<vmem>>) target_semaphore(%arg8 : memref<!tpu.dma_semaphore, #tpu.memory_space<semaphore_mem>>)
        %slice3A_233 = vector.extract_strided_slice %get3A_196 {offsets = [11], sizes = [1], strides = [1]} : vector<16xi32> to vector<1xi32>
        %squeeze3A_234 = vector.extract %slice3A_233[0] : i32 from vector<1xi32>
        %dma_start3A_235 = arith.constant 195 : i32
        %dma_start3A_236 = arith.constant 0 : i32
        %dma_start3A_237 = tpu.memref_slice %arg6[%dma_start3A_235, %dma_start3A_236] : memref<200x64xf32, #tpu.memory_space<vmem>> -> memref<1x64xf32, #tpu.memory_space<vmem>>
        %dma_start3A_238 = arith.constant 0 : i32
        %dma_start3A_239 = tpu.memref_slice %arg3[%squeeze3A_234, %dma_start3A_238] : memref<1000000x64xf32, #tpu.memory_space<hbm>> -> memref<1x64xf32, #tpu.memory_space<hbm>>
        %dma_start3A_240 = arith.constant 195 : i32
        %dma_start3A_241 = arith.constant 0 : i32
        %dma_start3A_242 = tpu.memref_slice %arg6[%dma_start3A_240, %dma_start3A_241] : memref<200x64xf32, #tpu.memory_space<vmem>> -> memref<1x64xf32, #tpu.memory_space<vmem>>
        %dma_start3A_243 = arith.constant 0 : i32
        %dma_start3A_244 = tpu.memref_slice %arg3[%squeeze3A_234, %dma_start3A_243] : memref<1000000x64xf32, #tpu.memory_space<hbm>> -> memref<1x64xf32, #tpu.memory_space<hbm>>
        tpu.enqueue_dma source(%dma_start3A_244 : memref<1x64xf32, #tpu.memory_space<hbm>>) target(%dma_start3A_242 : memref<1x64xf32, #tpu.memory_space<vmem>>) target_semaphore(%arg8 : memref<!tpu.dma_semaphore, #tpu.memory_space<semaphore_mem>>)
        %slice3A_245 = vector.extract_strided_slice %get3A_196 {offsets = [12], sizes = [1], strides = [1]} : vector<16xi32> to vector<1xi32>
        %squeeze3A_246 = vector.extract %slice3A_245[0] : i32 from vector<1xi32>
        %dma_start3A_247 = arith.constant 196 : i32
        %dma_start3A_248 = arith.constant 0 : i32
        %dma_start3A_249 = tpu.memref_slice %arg6[%dma_start3A_247, %dma_start3A_248] : memref<200x64xf32, #tpu.memory_space<vmem>> -> memref<1x64xf32, #tpu.memory_space<vmem>>
        %dma_start3A_250 = arith.constant 0 : i32
        %dma_start3A_251 = tpu.memref_slice %arg3[%squeeze3A_246, %dma_start3A_250] : memref<1000000x64xf32, #tpu.memory_space<hbm>> -> memref<1x64xf32, #tpu.memory_space<hbm>>
        %dma_start3A_252 = arith.constant 196 : i32
        %dma_start3A_253 = arith.constant 0 : i32
        %dma_start3A_254 = tpu.memref_slice %arg6[%dma_start3A_252, %dma_start3A_253] : memref<200x64xf32, #tpu.memory_space<vmem>> -> memref<1x64xf32, #tpu.memory_space<vmem>>
        %dma_start3A_255 = arith.constant 0 : i32
        %dma_start3A_256 = tpu.memref_slice %arg3[%squeeze3A_246, %dma_start3A_255] : memref<1000000x64xf32, #tpu.memory_space<hbm>> -> memref<1x64xf32, #tpu.memory_space<hbm>>
        tpu.enqueue_dma source(%dma_start3A_256 : memref<1x64xf32, #tpu.memory_space<hbm>>) target(%dma_start3A_254 : memref<1x64xf32, #tpu.memory_space<vmem>>) target_semaphore(%arg8 : memref<!tpu.dma_semaphore, #tpu.memory_space<semaphore_mem>>)
        %slice3A_257 = vector.extract_strided_slice %get3A_196 {offsets = [13], sizes = [1], strides = [1]} : vector<16xi32> to vector<1xi32>
        %squeeze3A_258 = vector.extract %slice3A_257[0] : i32 from vector<1xi32>
        %dma_start3A_259 = arith.constant 197 : i32
        %dma_start3A_260 = arith.constant 0 : i32
        %dma_start3A_261 = tpu.memref_slice %arg6[%dma_start3A_259, %dma_start3A_260] : memref<200x64xf32, #tpu.memory_space<vmem>> -> memref<1x64xf32, #tpu.memory_space<vmem>>
        %dma_start3A_262 = arith.constant 0 : i32
        %dma_start3A_263 = tpu.memref_slice %arg3[%squeeze3A_258, %dma_start3A_262] : memref<1000000x64xf32, #tpu.memory_space<hbm>> -> memref<1x64xf32, #tpu.memory_space<hbm>>
        %dma_start3A_264 = arith.constant 197 : i32
        %dma_start3A_265 = arith.constant 0 : i32
        %dma_start3A_266 = tpu.memref_slice %arg6[%dma_start3A_264, %dma_start3A_265] : memref<200x64xf32, #tpu.memory_space<vmem>> -> memref<1x64xf32, #tpu.memory_space<vmem>>
        %dma_start3A_267 = arith.constant 0 : i32
        %dma_start3A_268 = tpu.memref_slice %arg3[%squeeze3A_258, %dma_start3A_267] : memref<1000000x64xf32, #tpu.memory_space<hbm>> -> memref<1x64xf32, #tpu.memory_space<hbm>>
        tpu.enqueue_dma source(%dma_start3A_268 : memref<1x64xf32, #tpu.memory_space<hbm>>) target(%dma_start3A_266 : memref<1x64xf32, #tpu.memory_space<vmem>>) target_semaphore(%arg8 : memref<!tpu.dma_semaphore, #tpu.memory_space<semaphore_mem>>)
        %slice3A_269 = vector.extract_strided_slice %get3A_196 {offsets = [14], sizes = [1], strides = [1]} : vector<16xi32> to vector<1xi32>
        %squeeze3A_270 = vector.extract %slice3A_269[0] : i32 from vector<1xi32>
        %dma_start3A_271 = arith.constant 198 : i32
        %dma_start3A_272 = arith.constant 0 : i32
        %dma_start3A_273 = tpu.memref_slice %arg6[%dma_start3A_271, %dma_start3A_272] : memref<200x64xf32, #tpu.memory_space<vmem>> -> memref<1x64xf32, #tpu.memory_space<vmem>>
        %dma_start3A_274 = arith.constant 0 : i32
        %dma_start3A_275 = tpu.memref_slice %arg3[%squeeze3A_270, %dma_start3A_274] : memref<1000000x64xf32, #tpu.memory_space<hbm>> -> memref<1x64xf32, #tpu.memory_space<hbm>>
        %dma_start3A_276 = arith.constant 198 : i32
        %dma_start3A_277 = arith.constant 0 : i32
        %dma_start3A_278 = tpu.memref_slice %arg6[%dma_start3A_276, %dma_start3A_277] : memref<200x64xf32, #tpu.memory_space<vmem>> -> memref<1x64xf32, #tpu.memory_space<vmem>>
        %dma_start3A_279 = arith.constant 0 : i32
        %dma_start3A_280 = tpu.memref_slice %arg3[%squeeze3A_270, %dma_start3A_279] : memref<1000000x64xf32, #tpu.memory_space<hbm>> -> memref<1x64xf32, #tpu.memory_space<hbm>>
        tpu.enqueue_dma source(%dma_start3A_280 : memref<1x64xf32, #tpu.memory_space<hbm>>) target(%dma_start3A_278 : memref<1x64xf32, #tpu.memory_space<vmem>>) target_semaphore(%arg8 : memref<!tpu.dma_semaphore, #tpu.memory_space<semaphore_mem>>)
        %slice3A_281 = vector.extract_strided_slice %get3A_196 {offsets = [15], sizes = [1], strides = [1]} : vector<16xi32> to vector<1xi32>
        %squeeze3A_282 = vector.extract %slice3A_281[0] : i32 from vector<1xi32>
        %dma_start3A_283 = arith.constant 199 : i32
        %dma_start3A_284 = arith.constant 0 : i32
        %dma_start3A_285 = tpu.memref_slice %arg6[%dma_start3A_283, %dma_start3A_284] : memref<200x64xf32, #tpu.memory_space<vmem>> -> memref<1x64xf32, #tpu.memory_space<vmem>>
        %dma_start3A_286 = arith.constant 0 : i32
        %dma_start3A_287 = tpu.memref_slice %arg3[%squeeze3A_282, %dma_start3A_286] : memref<1000000x64xf32, #tpu.memory_space<hbm>> -> memref<1x64xf32, #tpu.memory_space<hbm>>
        %dma_start3A_288 = arith.constant 199 : i32
        %dma_start3A_289 = arith.constant 0 : i32
        %dma_start3A_290 = tpu.memref_slice %arg6[%dma_start3A_288, %dma_start3A_289] : memref<200x64xf32, #tpu.memory_space<vmem>> -> memref<1x64xf32, #tpu.memory_space<vmem>>
        %dma_start3A_291 = arith.constant 0 : i32
        %dma_start3A_292 = tpu.memref_slice %arg3[%squeeze3A_282, %dma_start3A_291] : memref<1000000x64xf32, #tpu.memory_space<hbm>> -> memref<1x64xf32, #tpu.memory_space<hbm>>
        tpu.enqueue_dma source(%dma_start3A_292 : memref<1x64xf32, #tpu.memory_space<hbm>>) target(%dma_start3A_290 : memref<1x64xf32, #tpu.memory_space<vmem>>) target_semaphore(%arg8 : memref<!tpu.dma_semaphore, #tpu.memory_space<semaphore_mem>>)
      } else {
      }
      %dma_wait3A_163 = arith.constant 0 : i32
      %dma_wait3A_164 = arith.constant 0 : i32
      %dma_wait3A_165 = tpu.memref_slice %arg3[%dma_wait3A_163, %dma_wait3A_164] : memref<1000000x64xf32, #tpu.memory_space<hbm>> -> memref<200x64xf32, #tpu.memory_space<hbm>>
      %dma_wait3A_166 = arith.constant 0 : i32
      %dma_wait3A_167 = arith.constant 0 : i32
      %dma_wait3A_168 = tpu.memref_slice %arg3[%dma_wait3A_166, %dma_wait3A_167] : memref<1000000x64xf32, #tpu.memory_space<hbm>> -> memref<200x64xf32, #tpu.memory_space<hbm>>
      tpu.wait_dma2 semaphore(%arg9 : memref<!tpu.dma_semaphore, #tpu.memory_space<semaphore_mem>>) src(%dma_wait3A_168 : memref<200x64xf32, #tpu.memory_space<hbm>>) dst(%arg7 : memref<200x64xf32, #tpu.memory_space<vmem>>)
      %add3A_169 = arith.addi %mul3A_2, %add3A_155 : i32
      %dma_start3A_170 = arith.constant 0 : i32
      %dma_start3A_171 = arith.constant 0 : i32
      %dma_start3A_172 = tpu.memref_slice %arg4[%add3A_169, %dma_start3A_170, %dma_start3A_171] : memref<4096x200x64xf32, #tpu.memory_space<hbm>> -> memref<1x200x64xf32, #tpu.memory_space<hbm>>
      %dma_start3A_173 = tpu.memref_squeeze %dma_start3A_172 : memref<1x200x64xf32, #tpu.memory_space<hbm>> -> memref<200x64xf32, #tpu.memory_space<hbm>>
      %dma_start3A_174 = arith.constant 0 : i32
      %dma_start3A_175 = arith.constant 0 : i32
      %dma_start3A_176 = tpu.memref_slice %arg4[%add3A_169, %dma_start3A_174, %dma_start3A_175] : memref<4096x200x64xf32, #tpu.memory_space<hbm>> -> memref<1x200x64xf32, #tpu.memory_space<hbm>>
      %dma_start3A_177 = tpu.memref_squeeze %dma_start3A_176 : memref<1x200x64xf32, #tpu.memory_space<hbm>> -> memref<200x64xf32, #tpu.memory_space<hbm>>
      tpu.enqueue_dma source(%arg7 : memref<200x64xf32, #tpu.memory_space<vmem>>) target(%dma_start3A_177 : memref<200x64xf32, #tpu.memory_space<hbm>>) target_semaphore(%arg11 : memref<!tpu.dma_semaphore, #tpu.memory_space<semaphore_mem>>)
    }
    %scan3A_108 = arith.constant 64 : i32
    %add3A_109 = arith.constant 126 : i32
    %add3A_110 = arith.addi %mul3A_2, %add3A_109 : i32
    %dma_wait3A = arith.constant 0 : i32
    %dma_wait3A_111 = arith.constant 0 : i32
    %dma_wait3A_112 = tpu.memref_slice %arg4[%add3A_110, %dma_wait3A, %dma_wait3A_111] : memref<4096x200x64xf32, #tpu.memory_space<hbm>> -> memref<1x200x64xf32, #tpu.memory_space<hbm>>
    %dma_wait3A_113 = tpu.memref_squeeze %dma_wait3A_112 : memref<1x200x64xf32, #tpu.memory_space<hbm>> -> memref<200x64xf32, #tpu.memory_space<hbm>>
    %dma_wait3A_114 = arith.constant 0 : i32
    %dma_wait3A_115 = arith.constant 0 : i32
    %dma_wait3A_116 = tpu.memref_slice %arg4[%add3A_110, %dma_wait3A_114, %dma_wait3A_115] : memref<4096x200x64xf32, #tpu.memory_space<hbm>> -> memref<1x200x64xf32, #tpu.memory_space<hbm>>
    %dma_wait3A_117 = tpu.memref_squeeze %dma_wait3A_116 : memref<1x200x64xf32, #tpu.memory_space<hbm>> -> memref<200x64xf32, #tpu.memory_space<hbm>>
    tpu.wait_dma2 semaphore(%arg10 : memref<!tpu.dma_semaphore, #tpu.memory_space<semaphore_mem>>) src(%arg6 : memref<200x64xf32, #tpu.memory_space<vmem>>) dst(%dma_wait3A_117 : memref<200x64xf32, #tpu.memory_space<hbm>>)
    %add3A_118 = arith.constant 127 : i32
    %add3A_119 = arith.addi %mul3A_2, %add3A_118 : i32
    %dma_wait3A_120 = arith.constant 0 : i32
    %dma_wait3A_121 = arith.constant 0 : i32
    %dma_wait3A_122 = tpu.memref_slice %arg4[%add3A_119, %dma_wait3A_120, %dma_wait3A_121] : memref<4096x200x64xf32, #tpu.memory_space<hbm>> -> memref<1x200x64xf32, #tpu.memory_space<hbm>>
    %dma_wait3A_123 = tpu.memref_squeeze %dma_wait3A_122 : memref<1x200x64xf32, #tpu.memory_space<hbm>> -> memref<200x64xf32, #tpu.memory_space<hbm>>
    %dma_wait3A_124 = arith.constant 0 : i32
    %dma_wait3A_125 = arith.constant 0 : i32
    %dma_wait3A_126 = tpu.memref_slice %arg4[%add3A_119, %dma_wait3A_124, %dma_wait3A_125] : memref<4096x200x64xf32, #tpu.memory_space<hbm>> -> memref<1x200x64xf32, #tpu.memory_space<hbm>>
    %dma_wait3A_127 = tpu.memref_squeeze %dma_wait3A_126 : memref<1x200x64xf32, #tpu.memory_space<hbm>> -> memref<200x64xf32, #tpu.memory_space<hbm>>
    tpu.wait_dma2 semaphore(%arg11 : memref<!tpu.dma_semaphore, #tpu.memory_space<semaphore_mem>>) src(%arg7 : memref<200x64xf32, #tpu.memory_space<vmem>>) dst(%dma_wait3A_127 : memref<200x64xf32, #tpu.memory_space<hbm>>)
    return
  }
}

</mosaic_0001>

<sc_bundles>
// kernel: _sc_gather.3.cloned.1.call-start
scs
__scs_entry_jumppad:
0x0: {  	(pc) =	sbr.rel $0x88, $3  }
0x1: {  	(tag) =	ssettag $0x0;
	lr =	simm.s32 $0x1  }
0x2: {  	[smem:$0x3F9F] =	sst lr;
	_ =	strace $0xD0000000  }
0x3: {  	_ = 	snop  }
0x4: {  	_ = 	snop  }
0x5: {  	_ = 	snop  }
0x6: {  	_ = 	snop  }
0x7: {  	_ = 	snop  }
__scs_overlays_trampoline_lowered:
0x8: {  	[smem:$0x3FAE] =	sst s0  }
0x9: {  	[smem:$0x3FAF] =	sst s1  }
0xa: {  	[smem:$0x3FB0] =	sst s2  }
0xb: {  	[smem:$0x3FB1] =	sst s3  }
0xc: {  	[smem:$0x3FB2] =	sst s4  }
0xd: {  	[smem:$0x3FB3] =	sst s5  }
0xe: {  	[smem:$0x3FB4] =	sst s6  }
0xf: {  	[smem:$0x3FB5] =	sst s7  }
0x10: {  	[smem:$0x3FB6] =	sst s8  }
0x11: {  	[smem:$0x3FB7] =	sst s9;
	s0 =	simm.s32 @!p0 $0x0  }
0x12: {  	s1 =	sld [smem:$0x3F9D];
	s0 =	simm.s32 @p0 $0x1  }
0x13: {  	[smem:$0x3FB8] =	sst s0;
	s0 =	simm.s32 @!p1 $0x0  }
0x14: {  	s2 =	sld [smem:$0x3F9C];
	s0 =	simm.s32 @p1 $0x1  }
0x15: {  	[smem:$0x3FB9] =	sst s0;
	s0 =	simm.s32 @!p2 $0x0  }
0x16: {  	s3 =	sld [smem:$0x3FDB];
	s0 =	simm.s32 @p2 $0x1  }
0x17: {  	s4 =	simm.s32 $0x1BF5;
	[smem:$0x3FBB] =	sst s0  }
0x18: {  	s0 =	sld [smem:$0x3F9E];
	_ =	swait.ge [sflag:s4], $0x0  }
0x19: {  	s7 =	sld [smem:$0x3F9F]  }
0x1a: {  	s8 =	sadd.s32 $0xFFFFE003, lr  }
0x1b: {  	s9 =	sadd.s32 $0xFFFFFEF7, lr;
	s5 =	simm.s32 $0xFFFFFFFF;
	p2 =	slt.u32 s8, $0xFFFFF086  }
0x1c: {  	p1 =	slt.u32 s9, $0xF7A;
	s5 =	simm.s32 @!p2 $0x0  }
0x1d: {  	s5 =	simm.s32 @p1 $0x1;
	p0 =	seq.s32 s7, s2  }
0x1e: {  	s7 =	smul.u32 @!p0 $0xF7A, s2;
	p2 =	seq.s32 @!p0 s5, $0x0  }
0x1f: {  	s9 =	smul.u32 $0xF7A, s1;
	s8 =	simm.s32 @!p0 $0x1BF5;
	p2 =	por !p2, p0  }
0x20: {  	[sflag:s8] =	ssyncset.s32 @!p0 $0xFFFFF086;
	s6 =	sadd.s32 @!p0 s3, s7;
	s7 =	simm.s32 @!p0 $0x108  }
0x21: {  	s3 =	sadd.s32 s3, s9;
	s6 =	sadd.s32 @!p0 $0x88, s6;
	s7 =	simm.s32 @p2 $0x1082  }
0x22: {  	[simem:s7], [sflag:s8] =	dma.local @!p0 [hbm:s6], $0xF7A  }
0x23: {  	s9 =	sor.u32 $0xD0000000, s2;
	s6 =	simm.s32 $0x108;
	_ =	swait.ge @!p0 [sflag:s8], $0x0  }
0x24: {  	s3 =	sadd.s32 $0x88, s3;
	s6 =	simm.s32 @!p1 $0x1082;
	[sflag:s4] =	ssyncset.s32 $0xFFFFF086  }
0x25: {  	[simem:s6], [sflag:s4] =	dma.local [hbm:s3], $0xF7A  }
0x26: {  	[smem:$0x3F9F] =	sst s1;
	(tag) =	ssettag s2;
	_ =	strace s9  }
0x27: {  	s1 =	sld [smem:$0x3FAF]  }
0x28: {  	s2 =	sld [smem:$0x3FB0]  }
0x29: {  	s4 =	sld [smem:$0x3FB2]  }
0x2a: {  	p0 =	seq.s32 s5, $0x0;
	s5 =	sld [smem:$0x3FB3]  }
0x2b: {  	s6 =	sld [smem:$0x3FB4]  }
0x2c: {  	s7 =	sld [smem:$0x3FB5]  }
0x2d: {  	s3 =	simm.s32 $0x108;
	s8 =	sld [smem:$0x3FB6]  }
0x2e: {  	s3 =	simm.s32 @!p0 $0x1082;
	s9 =	sld [smem:$0x3FB7]  }
0x2f: {  	lr =	sadd.s32 s0, s3;
	s0 =	sld [smem:$0x3FAE]  }
0x30: {  	s3 =	sld [smem:$0x3FB1]  }
0x31: {  	[smem:$0x3FBA] =	sst s10  }
0x32: {  	s10 =	sld [smem:$0x3FB8];
	_ =	sdelay $0x3  }
0x33: {  	p0 =	seq.s32 s10, $0x1;
	s10 =	sld [smem:$0x3FBA];
	_ =	sdelay $0x3  }
0x34: {  	[smem:$0x3FBA] =	sst s10  }
0x35: {  	s10 =	sld [smem:$0x3FB9];
	_ =	sdelay $0x3  }
0x36: {  	p1 =	seq.s32 s10, $0x1;
	s10 =	sld [smem:$0x3FBA];
	_ =	sdelay $0x3  }
0x37: {  	[smem:$0x3FBA] =	sst s10  }
0x38: {  	s10 =	sld [smem:$0x3FBB]  }
0x39: {  	_ = 	snop;
	(pc) =	sbr.ind lr, $3  }
0x3a: {  	_ = 	snop  }
0x3b: {  	_ = 	snop  }
0x3c: {  	p2 =	seq.s32 s10, $0x1;
	s10 =	sld [smem:$0x3FBA]  }
0x3d: {  	_ =	shalt  }
0x3e: {  	_ =	shalt  }
0x3f: {  	_ =	shalt  }
0x40: {  	_ =	shalt  }
0x41: {  	_ =	shalt  }
0x42: {  	_ =	shalt  }
0x43: {  	_ =	shalt  }
0x44: {  	_ =	shalt  }
0x45: {  	_ =	shalt  }
0x46: {  	_ =	shalt  }
0x47: {  	_ =	shalt  }
0x48: {  	_ =	shalt  }
0x49: {  	_ =	shalt  }
0x4a: {  	_ =	shalt  }
0x4b: {  	_ =	shalt  }
0x4c: {  	_ =	shalt  }
0x4d: {  	_ =	shalt  }
0x4e: {  	_ =	shalt  }
0x4f: {  	_ =	shalt  }
0x50: {  	_ =	shalt  }
0x51: {  	_ =	shalt  }
0x52: {  	_ =	shalt  }
0x53: {  	_ =	shalt  }
0x54: {  	_ =	shalt  }
0x55: {  	_ =	shalt  }
0x56: {  	_ =	shalt  }
0x57: {  	_ =	shalt  }
0x58: {  	_ =	shalt  }
0x59: {  	_ =	shalt  }
0x5a: {  	_ =	shalt  }
0x5b: {  	_ =	shalt  }
0x5c: {  	_ =	shalt  }
0x5d: {  	_ =	shalt  }
0x5e: {  	_ =	shalt  }
0x5f: {  	_ =	shalt  }
0x60: {  	_ =	shalt  }
0x61: {  	_ =	shalt  }
0x62: {  	_ =	shalt  }
0x63: {  	_ =	shalt  }
0x64: {  	_ =	shalt  }
0x65: {  	_ =	shalt  }
0x66: {  	_ =	shalt  }
0x67: {  	_ =	shalt  }
0x68: {  	_ =	shalt  }
0x69: {  	_ =	shalt  }
0x6a: {  	_ =	shalt  }
0x6b: {  	_ =	shalt  }
0x6c: {  	_ =	shalt  }
0x6d: {  	_ =	shalt  }
0x6e: {  	_ =	shalt  }
0x6f: {  	_ =	shalt  }
0x70: {  	_ =	shalt  }
0x71: {  	_ =	shalt  }
0x72: {  	_ =	shalt  }
0x73: {  	_ =	shalt  }
0x74: {  	_ =	shalt  }
0x75: {  	_ =	shalt  }
0x76: {  	_ =	shalt  }
0x77: {  	_ =	shalt  }
0x78: {  	_ =	shalt  }
0x79: {  	_ =	shalt  }
0x7a: {  	_ =	shalt  }
0x7b: {  	_ =	shalt  }
0x7c: {  	_ =	shalt  }
0x7d: {  	_ =	shalt  }
0x7e: {  	_ =	shalt  }
0x7f: {  	_ =	shalt  }
0x80: {  	_ =	shalt  }
0x81: {  	_ =	shalt  }
0x82: {  	_ =	shalt  }
0x83: {  	_ =	shalt  }
0x84: {  	_ =	shalt  }
0x85: {  	_ =	shalt  }
0x86: {  	_ =	shalt  }
0x87: {  	_ =	shalt  }
.Lfunc_end0:
.L_simem_size_0:
called_computation_lowered:
.L_overlay_start_0:
0x88: {  	s2 =	sld [smem:$0x3FD9]  }
0x89: {  	s3 =	sld [smem:$0x3FFE];
	_ =	sdelay $0x1  }
0x8a: {  	s1 =	srdreg.scid  }
0x8b: {  	s0 =	sand.u32 $0x1, s1  }
0x8c: {  	s17 =	sshll.u32 s0, $0xA;
	s2 =	sadd.s32 s3, s2  }
0x8d: {  	s2 =	sadd.s32 s2, s17  }
0x8e: {  	[smem:$0x3FC6] =	sst s2  }
0x8f: {  	_ = 	snop  }
0x90: {  	s2 =	sld [smem:$0x3FC9];
	(tm) =	ssettm $0x1  }
0x91: {  	s18 =	sld [smem:$0x3FFB];
	_ =	sdelay $0x3  }
0x92: {  	_ =	strace s18  }
0x93: {  	s3 =	sld [smem:$0x3FFC];
	_ =	sdelay $0x3  }
0x94: {  	_ =	strace s3  }
0x95: {  	s3 =	sld [smem:$0x3FFD];
	_ =	sdelay $0x3  }
0x96: {  	_ =	strace s3  }
0x97: {  	_ =	strace $0x8FFFFFFF  }
0x98: {  	s19 =	sld [smem:$0x3FDB];
	_ =	sdelay $0x1  }
0x99: {  	s4 =	simm.s32 $_scs_section_size  }
0x9a: {  	s5 =	simm.s32 $_size__tile_overlayer_lowered;
	s6 =	simm.s32 $_tile_overlayer_lowered  }
0x9b: {  	s22 =	simm.s32 $0x1BFF;
	s21 =	sshll.u32 s6, $0x1;
	s3 =	sadd.s32 s4, s19  }
0x9c: {  	s7 =	simm.s32 $0x0;
	s20 =	sshll.u32 s5, $0x1;
	s5 =	sadd.s32 s21, s3  }
0x9d: {  	[timem:s7], [sflag:s22] =	dma.local [hbm:s5], s20  }
0x9e: {  	_ =	swait.ge [sflag:s22], s20  }
0x9f: {  	s4 =	ssub.s32 $0x0, s20;
	[sflag:s22] =	ssyncset.done $0x0  }
0xa0: {  	[sflag:s22] =	ssyncadd.s32 s4;
	_ =	sdelay $0x1  }
0xa1: {  	s23 =	simm.s32 $0x1B8B  }
0xa2: {  	_ =	swait.ge [sflag:s23], $0x1  }
0xa3: {  	[sflag:s23] =	ssyncset.done $0x0  }
0xa4: {  	s25 =	simm.s32 $0x1B8E;
	s24 =	sld [smem:$0x3FFE];
	[sflag:s23] =	ssyncadd.s32 $0xFFFFFFFF  }
0xa5: {  	s26 =	simm.s32 $execute0_lowered;
	[smem:$0x3FD2] =	sst s25  }
0xa6: {  	s5 =	sshll.u32 s26, $0x1;
	_ =	strace $0x80000046;
	[dreg:$0x1] =	wrdreg $0xFFFFFFFF  }
0xa7: {  	s28 =	simm.s32 $_size_execute0_lowered;
	s3 =	sadd.s32 s3, s5;
	[dreg:$0x0] =	wrdreg $0x0  }
0xa8: {  	s5 =	sshll.u32 s28, $0x1;
	[dreg:$0x2] =	wrdreg s3  }
0xa9: {  	[dreg:$0x3] =	wrdreg s5  }
0xaa: {  	[dreg:$0x4] =	wrdreg $0xC0  }
0xab: {  	_ =	task [dreg:s7], $0x5FFFF  }
0xac: {  	[dreg:$0x1] =	wrdreg $0xFFFFFFFF  }
0xad: {  	[dreg:$0x0] =	wrdreg $0x60  }
0xae: {  	[dreg:$0x2] =	wrdreg s2  }
0xaf: {  	[dreg:$0x3] =	wrdreg s24  }
0xb0: {  	[dreg:$0x4] =	wrdreg $0x9  }
0xb1: {  	_ =	task.clear_ibuf [dreg:s7], $0x5FFFF;
	_ =	strace $0x90000046  }
0xb2: {  	s29 =	simm.s32 $0x9;
	_ =	strace $0x80000048  }
0xb3: {  	_ =	swait.ge [sflag:s29], $0x1  }
0xb4: {  	[sflag:s29] =	ssyncadd.s32 $0xFFFFFFFF  }
0xb5: {  	_ =	strace $0x90000048  }
0xb6: {  	_ =	sfence  }
0xb7: {  	s30 =	sld [smem:$0x0];
	_ =	sdelay $0x2  }
0xb8: {  	s31 =	sshll.u32 s1, $0xD;
	s1 =	sshrl.u32 s1, $0x2  }
0xb9: {  	s3 =	sand.u32 $0x4000, s31;
	s1 =	sadd.s32 s1, s30  }
0xba: {  	s0 =	sor.u32 s3, s0;
	s1 =	sshll.u32 s1, $0x11  }
0xbb: {  	s0 =	sor.u32 s1, s0  }
0xbc: {  	s0 =	sadd.s32 $0x8F2B, s0  }
0xbd: {  	[sflag:s0] =	ssyncadd.remote.s32 $0x1  }
0xbe: {  	_ =	sfence.sel $0xFFFF  }
0xbf: {  	[dreg:$0x0] =	wrdreg $0xFFFFFFFF;
	(pc) =	sbr.abs _section_cstart, $3  }
0xc0: {  	[dreg:$0x1] =	wrdreg $0xFFFFFFFF  }
0xc1: {  	_ =	task.clear_ibuf [dreg:s7], $0x2FFFF;
	_ =	strace $0x9FFFFFFF  }
0xc2: {  	(tm) =	ssettm $0x7FFFFFFF  }
0xc3: {  	_ =	shalt  }
tec
execute0_lowered:
.L_overlay_start_1:
0x0: {  	(tag) =	ssettag $0x1  }
0x1: {  	s3 =	srdreg.scid;
	s4 =	stileid.u32  }
0x2: {  	s3 =	sand.u32 $0x1, s3;
	s4 =	sshll.u32 s4, $0x1  }
0x3: {  	s0 =	rddreg [dreg:$0x0];
	s6 =	sor.u32 s3, s4  }
0x4: {  	s1 =	rddreg [dreg:$0x1];
	s2 =	simm.s32 $0x0;
	s8 =	smul.u32 $0xC80, s6  }
.Ltmp0:
0x5: {  	[smem:$0x7FF] =	sst s2;
	s5 =	ssub.s32 $0x2, s3;
	(pc) =	sbr.rel .LBB2_1-.Ltmp0, $4  }
0x6: {  	s28 =	simm.s32 $0x2;
	_ =	strace $0x80000047;
	s7 =	sshrl.u32 s5, $0x1  }
0x7: {  	s3 =	sadd.s32 $0x400, s1;
	s30 =	ssub.s32 s5, s7;
	s0 =	sadd.s32 s0, s8  }
0x8: {  	s4 =	sadd.s32 $0xF42800, s1;
	s31 =	smax.u32 s30, $0x1;
	[dreg:$0x3] =	wrdreg s0  }
0x9: {  	s5 =	sshll.u32 s6, $0x7;
	s6 =	simm.s32 $0x0;
	[dreg:$0x4] =	wrdreg s31  }
.LBB2_11:
0xa: {  	s0 =	simm.s32 $0x3  }
0xb: {  	_ =	swait.ge [sflag:s0], $0x6400  }
0xc: {  	[sflag:s0] =	ssyncset.done $0x0  }
0xd: {  	s1 =	simm.s32 $0x4;
	[sflag:s0] =	ssyncadd.s32 $0xFFFF9C00  }
0xe: {  	_ =	swait.ge [sflag:s1], $0x6400  }
0xf: {  	s6 =	rddreg [dreg:$0x5]  }
0x10: {  	s31 =	rddreg [dreg:$0x4];
	s6 =	sadd.s32 $0x1, s6  }
0x11: {  	p0 =	sne.s32 s6, s31  }
.Ltmp1:
0x12: {  	_ = 	snop;
	(pc) =	sbr.rel @!p0 .LBB2_12-.Ltmp1, $3  }
0x13: {  	_ =	sdelay $0x1  }
0x14: {  	[sflag:s1] =	ssyncset.done $0x0  }
0x15: {  	[sflag:s1] =	ssyncadd.s32 $0xFFFF9C00  }
.LBB2_1:
0x16: {  	[dreg:$0x5] =	wrdreg s6  }
0x17: {  	s0 =	rddreg [dreg:$0x3];
	s31 =	simm.s32 $0x5  }
0x18: {  	[tilespmem:s2], [sflag:$0x5] =	stream.linear.gather [hbm4b:s0+s2], $0x6400, $0x38;
	[tilespmem:$0x12C00] =	vst v63  }
0x19: {  	_ =	swait.ge [sflag:s31], $0x6400  }
0x1a: {  	[sflag:s31] =	ssyncset.done $0x0  }
0x1b: {  	[sflag:s31] =	ssyncadd.s32 $0xFFFF9C00  }
0x1c: {  	v0 =	vld [tilespmem:s2+$0x0];
	_ =	sdelay $0x4  }
0x1d: {  	v0 =	vshll.u32 v0, $0x4  }
0x1e: {  	(v2sf) =	vpush v0, $0x0  }
0x1f: {  	(v2sf) =	vpush v0, $0x1  }
0x20: {  	(v2sf) =	vpush v0, $0x2;
	_ =	sdelay $0x1  }
0x21: {  	(v2sf) =	vpush v0, $0x4;
	_ =	sdelay $0x1  }
0x22: {  	(v2sf) =	vpush v0, $0x3  }
0x23: {  	(v2sf) =	vpush v0, $0x5  }
0x24: {  	s1 =	simm.s32 $0x2000;
	s6 =	simm.s32 $0x0;
	s0 =	simm.s32 $0x0;
	(v2sf) =	vpush v0, $0x6  }
.LBB2_2:
0x25: {  	p0 =	sne.s32 s1, $0x16000  }
0x26: {  	s16 =	sadd.s32 $0x6480, s0;
	s10 =	sadd.s32 $0x6980, s0;
	s7 =	smov.u32 s1  }
0x27: {  	s1 =	sadd.s32 $0x2000, s1;
	s13 =	sadd.s32 $0x6780, s0;
	s8 =	sadd.s32 $0x6A00, s0;
	(v2sf) =	vpush v0, $0x7  }
0x28: {  	s15 =	sadd.s32 $0x6680, s0;
	s12 =	sadd.s32 $0x6800, s0;
	s9 =	sadd.s32 $0x6A80, s0  }
0x29: {  	s17 =	sadd.s32 $0x6400, s0;
	s18 =	sadd.s32 $0x6600, s0;
	(v2sf) =	vpush v0, $0x8  }
0x2a: {  	s19 =	sadd.s32 $0x6700, s0;
	s6 =	sadd.s32 $0x10, s6  }
0x2b: {  	s20 =	sadd.s32 $0x6500, s0;
	s11 =	sadd.s32 $0x6900, s0;
	s14 =	spop (v2sf);
	(v2sf) =	vpush v0, $0x9  }
0x2c: {  	s31 =	sand.u32 $0x1FFFFFF0, s14;
	s14 =	sadd.s32 $0x6880, s0;
	s21 =	spop (v2sf)  }
0x2d: {  	s31 =	sadd.s32 s3, s31;
	s21 =	sand.u32 $0x1FFFFFF0, s21;
	s22 =	spop (v2sf);
	(v2sf) =	vpush v0, $0xA  }
0x2e: {  	[tilespmem:s17], [sflag:$0x1] =	stream.linear.gather [hbm4b:s31+s2], $0x80, $0x38;
	[tilespmem:$0x12C00] =	vst v63  }
0x2f: {  	s17 =	sadd.s32 s3, s21;
	s21 =	sadd.s32 $0x6580, s0;
	s31 =	spop (v2sf);
	(v2sf) =	vpush v0, $0xB  }
0x30: {  	[tilespmem:s16], [sflag:$0x1] =	stream.linear.gather [hbm4b:s17+s2], $0x80, $0x38;
	[tilespmem:$0x12C00] =	vst v63  }
0x31: {  	s16 =	sand.u32 $0x1FFFFFF0, s22;
	s17 =	sand.u32 $0x1FFFFFF0, s31;
	s22 =	spop (v2sf);
	(v2sf) =	vpush v0, $0xC  }
0x32: {  	s16 =	sadd.s32 s3, s16;
	s22 =	sand.u32 $0x1FFFFFF0, s22;
	s31 =	spop (v2sf)  }
0x33: {  	[tilespmem:s20], [sflag:$0x1] =	stream.linear.gather [hbm4b:s16+s2], $0x80, $0x38;
	(v2sf) =	vpush v0, $0xD;
	[tilespmem:$0x12C00] =	vst v63  }
0x34: {  	s16 =	sadd.s32 s3, s22;
	s20 =	sand.u32 $0x1FFFFFF0, s31;
	s22 =	spop (v2sf)  }
0x35: {  	[tilespmem:s21], [sflag:$0x1] =	stream.linear.gather [hbm4b:s16+s2], $0x80, $0x38;
	(v2sf) =	vpush v0, $0xE;
	[tilespmem:$0x12C00] =	vst v63  }
0x36: {  	s16 =	sadd.s32 s3, s17;
	s17 =	sand.u32 $0x1FFFFFF0, s22;
	s21 =	spop (v2sf)  }
0x37: {  	[tilespmem:s18], [sflag:$0x1] =	stream.linear.gather [hbm4b:s16+s2], $0x80, $0x38;
	(v2sf) =	vpush v0, $0xF;
	[tilespmem:$0x12C00] =	vst v63  }
0x38: {  	s16 =	sadd.s32 s3, s20;
	s18 =	sand.u32 $0x1FFFFFF0, s21;
	s20 =	spop (v2sf)  }
0x39: {  	[tilespmem:s15], [sflag:$0x1] =	stream.linear.gather [hbm4b:s16+s2], $0x80, $0x38;
	[tilespmem:$0x12C00] =	vst v63  }
0x3a: {  	s15 =	sadd.s32 s3, s17;
	s16 =	sand.u32 $0x1FFFFFF0, s20;
	s17 =	spop (v2sf)  }
0x3b: {  	[tilespmem:s19], [sflag:$0x1] =	stream.linear.gather [hbm4b:s15+s2], $0x80, $0x38;
	[tilespmem:$0x12C00] =	vst v63  }
0x3c: {  	s15 =	sadd.s32 s3, s18;
	s17 =	sand.u32 $0x1FFFFFF0, s17;
	s18 =	spop (v2sf)  }
0x3d: {  	[tilespmem:s13], [sflag:$0x1] =	stream.linear.gather [hbm4b:s15+s2], $0x80, $0x38;
	[tilespmem:$0x12C00] =	vst v63  }
0x3e: {  	s13 =	sadd.s32 s3, s16;
	s15 =	sand.u32 $0x1FFFFFF0, s18;
	s16 =	spop (v2sf)  }
0x3f: {  	[tilespmem:s12], [sflag:$0x1] =	stream.linear.gather [hbm4b:s13+s2], $0x80, $0x38;
	[tilespmem:$0x12C00] =	vst v63  }
0x40: {  	s12 =	sadd.s32 s3, s17;
	s13 =	sand.u32 $0x1FFFFFF0, s16;
	s16 =	spop (v2sf)  }
0x41: {  	[tilespmem:s14], [sflag:$0x1] =	stream.linear.gather [hbm4b:s12+s2], $0x80, $0x38;
	[tilespmem:$0x12C00] =	vst v63  }
0x42: {  	s12 =	sadd.s32 s3, s15;
	s14 =	sand.u32 $0x1FFFFFF0, s16;
	s15 =	spop (v2sf)  }
0x43: {  	[tilespmem:s11], [sflag:$0x1] =	stream.linear.gather [hbm4b:s12+s2], $0x80, $0x38;
	[tilespmem:$0x12C00] =	vst v63  }
0x44: {  	s11 =	sadd.s32 s3, s13;
	s12 =	sand.u32 $0x1FFFFFF0, s15;
	s13 =	spop (v2sf)  }
0x45: {  	[tilespmem:s10], [sflag:$0x1] =	stream.linear.gather [hbm4b:s11+s2], $0x80, $0x38;
	[tilespmem:$0x12C00] =	vst v63  }
0x46: {  	s10 =	sadd.s32 s3, s14;
	s11 =	sand.u32 $0x1FFFFFF0, s13;
	s13 =	spop (v2sf)  }
0x47: {  	[tilespmem:s8], [sflag:$0x1] =	stream.linear.gather [hbm4b:s10+s2], $0x80, $0x38;
	[tilespmem:$0x12C00] =	vst v63  }
0x48: {  	s8 =	sadd.s32 s3, s12;
	s10 =	sand.u32 $0x1FFFFFF0, s13  }
0x49: {  	[tilespmem:s9], [sflag:$0x1] =	stream.linear.gather [hbm4b:s8+s2], $0x80, $0x38;
	[tilespmem:$0x12C00] =	vst v63  }
0x4a: {  	s8 =	sadd.s32 $0x6B00, s0;
	s9 =	sadd.s32 s3, s11  }
0x4b: {  	[tilespmem:s8], [sflag:$0x1] =	stream.linear.gather [hbm4b:s9+s2], $0x80, $0x38;
	[tilespmem:$0x12C00] =	vst v63  }
0x4c: {  	s0 =	sadd.s32 $0x6B80, s0;
	s8 =	sadd.s32 s3, s10  }
0x4d: {  	[tilespmem:s0], [sflag:$0x1] =	stream.linear.gather [hbm4b:s8+s2], $0x80, $0x38;
	[tilespmem:$0x12C00] =	vst v63  }
0x4e: {  	v0 =	vld [tilespmem:s6+$0x0];
	_ =	sdelay $0x4  }
0x4f: {  	v0 =	vshll.u32 v0, $0x4  }
0x50: {  	(v2sf) =	vpush v0, $0x0  }
0x51: {  	(v2sf) =	vpush v0, $0x1  }
0x52: {  	(v2sf) =	vpush v0, $0x2;
	_ =	sdelay $0x1  }
0x53: {  	(v2sf) =	vpush v0, $0x4  }
.Ltmp2:
0x54: {  	(pc) =	sbr.rel @p0 .LBB2_2-.Ltmp2, $3  }
0x55: {  	(v2sf) =	vpush v0, $0x3  }
0x56: {  	(v2sf) =	vpush v0, $0x5;
	_ =	sdelay $0x1  }
0x57: {  	s0 =	sshra.s32 s7, $0x2;
	(v2sf) =	vpush v0, $0x6  }
0x58: {  	_ =	sdelay $0x5  }
0x59: {  	s1 =	spop (v2sf)  }
0x5a: {  	s6 =	spop (v2sf)  }
0x5b: {  	s8 =	spop (v2sf)  }
0x5c: {  	s11 =	spop (v2sf);
	(v2sf) =	vpush v0, $0x7  }
0x5d: {  	s1 =	sand.u32 $0x1FFFFFF0, s1  }
0x5e: {  	s7 =	sadd.s32 $0x6400, s0;
	s1 =	sadd.s32 s3, s1  }
0x5f: {  	[tilespmem:s7], [sflag:$0x1] =	stream.linear.gather [hbm4b:s1+s2], $0x80, $0x38;
	[tilespmem:$0x12C00] =	vst v63  }
0x60: {  	s6 =	sand.u32 $0x1FFFFFF0, s6;
	s12 =	spop (v2sf);
	(v2sf) =	vpush v0, $0x8  }
0x61: {  	s7 =	sadd.s32 $0x6480, s0;
	s6 =	sadd.s32 s3, s6  }
0x62: {  	[tilespmem:s7], [sflag:$0x1] =	stream.linear.gather [hbm4b:s6+s2], $0x80, $0x38;
	[tilespmem:$0x12C00] =	vst v63  }
0x63: {  	s9 =	sand.u32 $0x1FFFFFF0, s8;
	s16 =	spop (v2sf);
	(v2sf) =	vpush v0, $0x9  }
0x64: {  	s10 =	sadd.s32 $0x6500, s0;
	s1 =	sadd.s32 s3, s9  }
0x65: {  	[tilespmem:s10], [sflag:$0x1] =	stream.linear.gather [hbm4b:s1+s2], $0x80, $0x38;
	[tilespmem:$0x12C00] =	vst v63  }
0x66: {  	s1 =	sand.u32 $0x1FFFFFF0, s12;
	s18 =	spop (v2sf);
	(v2sf) =	vpush v0, $0xA  }
0x67: {  	s13 =	sadd.s32 $0x6580, s0;
	s14 =	sand.u32 $0x1FFFFFF0, s11;
	s1 =	sadd.s32 s3, s1  }
0x68: {  	[tilespmem:s13], [sflag:$0x1] =	stream.linear.gather [hbm4b:s1+s2], $0x80, $0x38;
	[tilespmem:$0x12C00] =	vst v63  }
0x69: {  	s15 =	sadd.s32 $0x6600, s0;
	s1 =	sadd.s32 s3, s14  }
0x6a: {  	[tilespmem:s15], [sflag:$0x1] =	stream.linear.gather [hbm4b:s1+s2], $0x80, $0x38;
	[tilespmem:$0x12C00] =	vst v63  }
0x6b: {  	s1 =	sand.u32 $0x1FFFFFF0, s16;
	s20 =	spop (v2sf);
	(v2sf) =	vpush v0, $0xB  }
0x6c: {  	s17 =	sadd.s32 $0x6680, s0;
	s1 =	sadd.s32 s3, s1  }
0x6d: {  	[tilespmem:s17], [sflag:$0x1] =	stream.linear.gather [hbm4b:s1+s2], $0x80, $0x38;
	[tilespmem:$0x12C00] =	vst v63  }
0x6e: {  	s1 =	sand.u32 $0x1FFFFFF0, s18  }
0x6f: {  	s19 =	sadd.s32 $0x6700, s0;
	s1 =	sadd.s32 s3, s1;
	s22 =	spop (v2sf);
	(v2sf) =	vpush v0, $0xC  }
0x70: {  	[tilespmem:s19], [sflag:$0x1] =	stream.linear.gather [hbm4b:s1+s2], $0x80, $0x38;
	[tilespmem:$0x12C00] =	vst v63  }
0x71: {  	s1 =	sand.u32 $0x1FFFFFF0, s20  }
0x72: {  	s21 =	sadd.s32 $0x6780, s0;
	s1 =	sadd.s32 s3, s1;
	s24 =	spop (v2sf);
	(v2sf) =	vpush v0, $0xD  }
0x73: {  	[tilespmem:s21], [sflag:$0x1] =	stream.linear.gather [hbm4b:s1+s2], $0x80, $0x38;
	[tilespmem:$0x12C00] =	vst v63  }
0x74: {  	s1 =	sand.u32 $0x1FFFFFF0, s22  }
0x75: {  	s23 =	sadd.s32 $0x6800, s0;
	s1 =	sadd.s32 s3, s1;
	s26 =	spop (v2sf);
	(v2sf) =	vpush v0, $0xE  }
0x76: {  	[tilespmem:s23], [sflag:$0x1] =	stream.linear.gather [hbm4b:s1+s2], $0x80, $0x38;
	[tilespmem:$0x12C00] =	vst v63  }
0x77: {  	s1 =	sand.u32 $0x1FFFFFF0, s24  }
0x78: {  	s25 =	sadd.s32 $0x6880, s0;
	s1 =	sadd.s32 s3, s1  }
0x79: {  	[tilespmem:s25], [sflag:$0x1] =	stream.linear.gather [hbm4b:s1+s2], $0x80, $0x38;
	[tilespmem:$0x12C00] =	vst v63  }
0x7a: {  	s1 =	sand.u32 $0x1FFFFFF0, s26;
	s30 =	spop (v2sf);
	(v2sf) =	vpush v0, $0xF  }
0x7b: {  	s29 =	sadd.s32 $0x6900, s0;
	s1 =	sadd.s32 s3, s1  }
0x7c: {  	[tilespmem:s29], [sflag:$0x1] =	stream.linear.gather [hbm4b:s1+s2], $0x80, $0x38;
	[tilespmem:$0x12C00] =	vst v63  }
0x7d: {  	s1 =	sand.u32 $0x1FFFFFF0, s30  }
0x7e: {  	s31 =	sadd.s32 $0x6980, s0;
	s1 =	sadd.s32 s3, s1;
	s6 =	spop (v2sf)  }
0x7f: {  	[tilespmem:s31], [sflag:$0x1] =	stream.linear.gather [hbm4b:s1+s2], $0x80, $0x38;
	[tilespmem:$0x12C00] =	vst v63  }
0x80: {  	s1 =	sand.u32 $0x1FFFFFF0, s6  }
0x81: {  	s7 =	sadd.s32 $0x6A00, s0;
	s8 =	spop (v2sf);
	s1 =	sadd.s32 s3, s1  }
0x82: {  	[tilespmem:s7], [sflag:$0x1] =	stream.linear.gather [hbm4b:s1+s2], $0x80, $0x38;
	[tilespmem:$0x12C00] =	vst v63  }
0x83: {  	s1 =	sand.u32 $0x1FFFFFF0, s8  }
0x84: {  	s9 =	sadd.s32 $0x6A80, s0;
	s10 =	spop (v2sf);
	s1 =	sadd.s32 s3, s1  }
0x85: {  	[tilespmem:s9], [sflag:$0x1] =	stream.linear.gather [hbm4b:s1+s2], $0x80, $0x38;
	[tilespmem:$0x12C00] =	vst v63  }
0x86: {  	s1 =	sand.u32 $0x1FFFFFF0, s10  }
0x87: {  	s11 =	sadd.s32 $0x6B00, s0;
	s1 =	sadd.s32 s3, s1  }
0x88: {  	[tilespmem:s11], [sflag:$0x1] =	stream.linear.gather [hbm4b:s1+s2], $0x80, $0x38;
	[tilespmem:$0x12C00] =	vst v63  }
0x89: {  	s12 =	spop (v2sf)  }
0x8a: {  	s1 =	sand.u32 $0x1FFFFFF0, s12  }
0x8b: {  	s13 =	sadd.s32 $0x6B80, s0;
	s1 =	sadd.s32 s3, s1  }
0x8c: {  	[tilespmem:s13], [sflag:$0x1] =	stream.linear.gather [hbm4b:s1+s2], $0x80, $0x38;
	[tilespmem:$0x12C00] =	vst v63  }
0x8d: {  	v63 =	vld [tilespmem:$0xB8];
	_ =	sdelay $0x4  }
0x8e: {  	v0 =	vshll.u32 v63, $0x4  }
0x8f: {  	(v2sf) =	vpush v0, $0x8;
	_ =	sdelay $0x1  }
0x90: {  	(v2sf) =	vpush v0, $0x9;
	_ =	sdelay $0x1  }
0x91: {  	(v2sf) =	vpush v0, $0xA;
	_ =	sdelay $0x2  }
0x92: {  	(v2sf) =	vpush v0, $0xB;
	_ =	sdelay $0x7  }
0x93: {  	s14 =	spop (v2sf);
	(v2sf) =	vpush v0, $0xC;
	_ =	sdelay $0x1  }
0x94: {  	s16 =	spop (v2sf);
	(v2sf) =	vpush v0, $0xD  }
0x95: {  	s15 =	simm.s32 $0xC400;
	s0 =	sand.u32 $0x1FFFFFF0, s14  }
0x96: {  	s1 =	simm.s32 $0x0;
	s0 =	sadd.s32 s3, s0;
	s18 =	spop (v2sf)  }
0x97: {  	(v2sf) =	vpush v0, $0xE;
	[tilespmem:s15], [sflag:$0x1] =	stream.linear.gather [hbm4b:s0+s1], $0x80, $0x38;
	[tilespmem:$0x12C00] =	vst v63  }
0x98: {  	s0 =	sand.u32 $0x1FFFFFF0, s16  }
0x99: {  	s17 =	simm.s32 $0xC480;
	s20 =	spop (v2sf);
	s0 =	sadd.s32 s3, s0  }
0x9a: {  	(v2sf) =	vpush v0, $0xF;
	[tilespmem:s17], [sflag:$0x1] =	stream.linear.gather [hbm4b:s0+s1], $0x80, $0x38;
	[tilespmem:$0x12C00] =	vst v63  }
0x9b: {  	s0 =	sand.u32 $0x1FFFFFF0, s18  }
0x9c: {  	s19 =	simm.s32 $0xC500;
	s0 =	sadd.s32 s3, s0  }
0x9d: {  	[tilespmem:s19], [sflag:$0x1] =	stream.linear.gather [hbm4b:s0+s1], $0x80, $0x38;
	[tilespmem:$0x12C00] =	vst v63  }
0x9e: {  	s0 =	sand.u32 $0x1FFFFFF0, s20  }
0x9f: {  	s21 =	simm.s32 $0xC580;
	s0 =	sadd.s32 s3, s0  }
0xa0: {  	[tilespmem:s21], [sflag:$0x1] =	stream.linear.gather [hbm4b:s0+s1], $0x80, $0x38;
	[tilespmem:$0x12C00] =	vst v63  }
0xa1: {  	s22 =	spop (v2sf)  }
0xa2: {  	s0 =	sand.u32 $0x1FFFFFF0, s22  }
0xa3: {  	s23 =	simm.s32 $0xC600;
	s24 =	spop (v2sf);
	s0 =	sadd.s32 s3, s0  }
0xa4: {  	[tilespmem:s23], [sflag:$0x1] =	stream.linear.gather [hbm4b:s0+s1], $0x80, $0x38;
	[tilespmem:$0x12C00] =	vst v63  }
0xa5: {  	s0 =	sand.u32 $0x1FFFFFF0, s24  }
0xa6: {  	s25 =	simm.s32 $0xC680;
	s26 =	spop (v2sf);
	s0 =	sadd.s32 s3, s0  }
0xa7: {  	[tilespmem:s25], [sflag:$0x1] =	stream.linear.gather [hbm4b:s0+s1], $0x80, $0x38;
	[tilespmem:$0x12C00] =	vst v63  }
0xa8: {  	s29 =	simm.s32 $0xC700;
	s0 =	sand.u32 $0x1FFFFFF0, s26  }
.Ltmp3:
0xa9: {  	s30 =	spop (v2sf);
	s0 =	sadd.s32 s3, s0;
	(pc) =	sbr.rel .LBB2_4-.Ltmp3, $4  }
0xaa: {  	[tilespmem:s29], [sflag:$0x1] =	stream.linear.gather [hbm4b:s0+s1], $0x80, $0x38;
	[tilespmem:$0x12C00] =	vst v63  }
0xab: {  	s31 =	simm.s32 $0xC780;
	s0 =	sand.u32 $0x1FFFFFF0, s30  }
0xac: {  	s7 =	simm.s32 $0x190;
	s11 =	simm.s32 $0xC8;
	s0 =	sadd.s32 s3, s0  }
0xad: {  	[tilespmem:s31], [sflag:$0x1] =	stream.linear.gather [hbm4b:s0+s1], $0x80, $0x38;
	[tilespmem:$0x12C00] =	vst v63  }
.LBB2_10:
0xae: {  	s1 =	sadd.s32 $0x1, s1  }
0xaf: {  	p0 =	sne.s32 s1, $0x40  }
.Ltmp4:
0xb0: {  	s0 =	sadd.s32 s5, s8;
	(pc) =	sbr.rel @!p0 .LBB2_11-.Ltmp4, $4  }
0xb1: {  	_ =	swait.ge [sflag:s28], $0x6400;
	s0 =	smul.u32 $0xC80, s0  }
0xb2: {  	s6 =	simm.s32 $0xC800;
	s11 =	sadd.s32 $0x190, s11;
	[sflag:s28] =	ssyncset.done $0x0  }
0xb3: {  	s7 =	sadd.s32 $0x190, s7;
	[sflag:s28] =	ssyncadd.s32 $0xFFFF9C00;
	s0 =	sadd.s32 s4, s0  }
0xb4: {  	[hbm4b:s0+s2] =	stream.linear.scatter [tilespmem:s6], [sflag:$0x4], $0x6400, $0x38;
	[tilespmem:$0x12C00] =	vst v63  }
.LBB2_4:
0xb5: {  	p0 =	seq.s32 s1, $0x0  }
0xb6: {  	s0 =	simm.s32 @!p0 $0x4  }
0xb7: {  	_ =	swait.ge @!p0 [sflag:s0], $0x6400  }
0xb8: {  	[sflag:s0] =	ssyncset.done @!p0 $0x0  }
0xb9: {  	[sflag:s0] =	ssyncadd.s32 @!p0 $0xFFFF9C00  }
0xba: {  	v0 =	vld [tilespmem:s11+$0x0];
	_ =	sdelay $0x4  }
0xbb: {  	v0 =	vshll.u32 v0, $0x4  }
0xbc: {  	(v2sf) =	vpush v0, $0x0  }
0xbd: {  	(v2sf) =	vpush v0, $0x1  }
0xbe: {  	(v2sf) =	vpush v0, $0x2;
	_ =	sdelay $0x1  }
0xbf: {  	(v2sf) =	vpush v0, $0x4  }
0xc0: {  	s8 =	sshllo.u32 s1, $0x1  }
0xc1: {  	s30 =	smul.u32 $0x320, s8;
	(v2sf) =	vpush v0, $0x3  }
0xc2: {  	s31 =	sshll.u32 s1, $0x1;
	s10 =	simm.s32 $0x2000;
	(v2sf) =	vpush v0, $0x5  }
0xc3: {  	s9 =	simm.s32 $0x0;
	s6 =	smov.u32 s11;
	s0 =	sshra.s32 s30, $0x2;
	(v2sf) =	vpush v0, $0x6  }
.LBB2_5:
0xc4: {  	p0 =	sne.s32 s10, $0x16000  }
0xc5: {  	s21 =	sadd.s32 $0xC880, s9;
	s15 =	sadd.s32 $0xCD80, s9;
	s12 =	smov.u32 s10  }
0xc6: {  	s10 =	sadd.s32 $0x2000, s10;
	s18 =	sadd.s32 $0xCB80, s9;
	s13 =	sadd.s32 $0xCE00, s9;
	(v2sf) =	vpush v0, $0x7  }
0xc7: {  	s20 =	sadd.s32 $0xCA80, s9;
	s17 =	sadd.s32 $0xCC00, s9;
	s14 =	sadd.s32 $0xCE80, s9  }
0xc8: {  	s22 =	sadd.s32 $0xC800, s9;
	s23 =	sadd.s32 $0xCA00, s9;
	(v2sf) =	vpush v0, $0x8  }
0xc9: {  	s24 =	sadd.s32 $0xCB00, s9;
	s6 =	sadd.s32 $0x10, s6  }
0xca: {  	s26 =	sadd.s32 $0xC900, s9;
	s16 =	sadd.s32 $0xCD00, s9;
	s19 =	spop (v2sf);
	(v2sf) =	vpush v0, $0x9  }
0xcb: {  	s29 =	sand.u32 $0x1FFFFFF0, s19;
	s19 =	sadd.s32 $0xCC80, s9;
	s30 =	spop (v2sf)  }
0xcc: {  	s29 =	sadd.s32 s3, s29;
	s30 =	sand.u32 $0x1FFFFFF0, s30;
	s25 =	spop (v2sf);
	(v2sf) =	vpush v0, $0xA  }
0xcd: {  	[tilespmem:s22], [sflag:$0x2] =	stream.linear.gather [hbm4b:s29+s2], $0x80, $0x38;
	[tilespmem:$0x12C00] =	vst v63  }
0xce: {  	s22 =	sadd.s32 s3, s30;
	s29 =	sadd.s32 $0xC980, s9;
	s30 =	spop (v2sf);
	(v2sf) =	vpush v0, $0xB  }
0xcf: {  	[tilespmem:s21], [sflag:$0x2] =	stream.linear.gather [hbm4b:s22+s2], $0x80, $0x38;
	[tilespmem:$0x12C00] =	vst v63  }
0xd0: {  	s21 =	sand.u32 $0x1FFFFFF0, s25;
	s22 =	sand.u32 $0x1FFFFFF0, s30;
	s25 =	spop (v2sf);
	(v2sf) =	vpush v0, $0xC  }
0xd1: {  	s21 =	sadd.s32 s3, s21;
	s25 =	sand.u32 $0x1FFFFFF0, s25;
	s30 =	spop (v2sf)  }
0xd2: {  	[tilespmem:s26], [sflag:$0x2] =	stream.linear.gather [hbm4b:s21+s2], $0x80, $0x38;
	(v2sf) =	vpush v0, $0xD;
	[tilespmem:$0x12C00] =	vst v63  }
0xd3: {  	s21 =	sadd.s32 s3, s25;
	s25 =	sand.u32 $0x1FFFFFF0, s30;
	s26 =	spop (v2sf)  }
0xd4: {  	[tilespmem:s29], [sflag:$0x2] =	stream.linear.gather [hbm4b:s21+s2], $0x80, $0x38;
	(v2sf) =	vpush v0, $0xE;
	[tilespmem:$0x12C00] =	vst v63  }
0xd5: {  	s21 =	sadd.s32 s3, s22;
	s22 =	sand.u32 $0x1FFFFFF0, s26;
	s26 =	spop (v2sf)  }
0xd6: {  	[tilespmem:s23], [sflag:$0x2] =	stream.linear.gather [hbm4b:s21+s2], $0x80, $0x38;
	(v2sf) =	vpush v0, $0xF;
	[tilespmem:$0x12C00] =	vst v63  }
0xd7: {  	s21 =	sadd.s32 s3, s25;
	s23 =	sand.u32 $0x1FFFFFF0, s26;
	s25 =	spop (v2sf)  }
0xd8: {  	[tilespmem:s20], [sflag:$0x2] =	stream.linear.gather [hbm4b:s21+s2], $0x80, $0x38;
	[tilespmem:$0x12C00] =	vst v63  }
0xd9: {  	s20 =	sadd.s32 s3, s22;
	s21 =	sand.u32 $0x1FFFFFF0, s25;
	s22 =	spop (v2sf)  }
0xda: {  	[tilespmem:s24], [sflag:$0x2] =	stream.linear.gather [hbm4b:s20+s2], $0x80, $0x38;
	[tilespmem:$0x12C00] =	vst v63  }
0xdb: {  	s20 =	sadd.s32 s3, s23;
	s22 =	sand.u32 $0x1FFFFFF0, s22;
	s23 =	spop (v2sf)  }
0xdc: {  	[tilespmem:s18], [sflag:$0x2] =	stream.linear.gather [hbm4b:s20+s2], $0x80, $0x38;
	[tilespmem:$0x12C00] =	vst v63  }
0xdd: {  	s18 =	sadd.s32 s3, s21;
	s20 =	sand.u32 $0x1FFFFFF0, s23;
	s21 =	spop (v2sf)  }
0xde: {  	[tilespmem:s17], [sflag:$0x2] =	stream.linear.gather [hbm4b:s18+s2], $0x80, $0x38;
	[tilespmem:$0x12C00] =	vst v63  }
0xdf: {  	s17 =	sadd.s32 s3, s22;
	s18 =	sand.u32 $0x1FFFFFF0, s21;
	s21 =	spop (v2sf)  }
0xe0: {  	[tilespmem:s19], [sflag:$0x2] =	stream.linear.gather [hbm4b:s17+s2], $0x80, $0x38;
	[tilespmem:$0x12C00] =	vst v63  }
0xe1: {  	s17 =	sadd.s32 s3, s20;
	s19 =	sand.u32 $0x1FFFFFF0, s21;
	s20 =	spop (v2sf)  }
0xe2: {  	[tilespmem:s16], [sflag:$0x2] =	stream.linear.gather [hbm4b:s17+s2], $0x80, $0x38;
	[tilespmem:$0x12C00] =	vst v63  }
0xe3: {  	s16 =	sadd.s32 s3, s18;
	s17 =	sand.u32 $0x1FFFFFF0, s20;
	s18 =	spop (v2sf)  }
0xe4: {  	[tilespmem:s15], [sflag:$0x2] =	stream.linear.gather [hbm4b:s16+s2], $0x80, $0x38;
	[tilespmem:$0x12C00] =	vst v63  }
0xe5: {  	s15 =	sadd.s32 s3, s19;
	s16 =	sand.u32 $0x1FFFFFF0, s18;
	s18 =	spop (v2sf)  }
0xe6: {  	[tilespmem:s13], [sflag:$0x2] =	stream.linear.gather [hbm4b:s15+s2], $0x80, $0x38;
	[tilespmem:$0x12C00] =	vst v63  }
0xe7: {  	s13 =	sadd.s32 s3, s17;
	s15 =	sand.u32 $0x1FFFFFF0, s18  }
0xe8: {  	[tilespmem:s14], [sflag:$0x2] =	stream.linear.gather [hbm4b:s13+s2], $0x80, $0x38;
	[tilespmem:$0x12C00] =	vst v63  }
0xe9: {  	s13 =	sadd.s32 $0xCF00, s9;
	s14 =	sadd.s32 s3, s16  }
0xea: {  	[tilespmem:s13], [sflag:$0x2] =	stream.linear.gather [hbm4b:s14+s2], $0x80, $0x38;
	[tilespmem:$0x12C00] =	vst v63  }
0xeb: {  	s9 =	sadd.s32 $0xCF80, s9;
	s13 =	sadd.s32 s3, s15  }
0xec: {  	[tilespmem:s9], [sflag:$0x2] =	stream.linear.gather [hbm4b:s13+s2], $0x80, $0x38;
	[tilespmem:$0x12C00] =	vst v63  }
0xed: {  	v0 =	vld [tilespmem:s6+$0x0];
	_ =	sdelay $0x4  }
0xee: {  	v0 =	vshll.u32 v0, $0x4  }
0xef: {  	(v2sf) =	vpush v0, $0x0  }
0xf0: {  	(v2sf) =	vpush v0, $0x1  }
0xf1: {  	(v2sf) =	vpush v0, $0x2;
	_ =	sdelay $0x1  }
0xf2: {  	(v2sf) =	vpush v0, $0x4  }
.Ltmp5:
0xf3: {  	(pc) =	sbr.rel @p0 .LBB2_5-.Ltmp5, $3  }
0xf4: {  	(v2sf) =	vpush v0, $0x3  }
0xf5: {  	(v2sf) =	vpush v0, $0x5;
	_ =	sdelay $0x1  }
0xf6: {  	s9 =	sshra.s32 s12, $0x2;
	(v2sf) =	vpush v0, $0x6  }
0xf7: {  	_ =	sdelay $0x5  }
0xf8: {  	s6 =	spop (v2sf)  }
0xf9: {  	s10 =	spop (v2sf)  }
0xfa: {  	s17 =	spop (v2sf)  }
0xfb: {  	s20 =	spop (v2sf);
	(v2sf) =	vpush v0, $0x7  }
0xfc: {  	s6 =	sand.u32 $0x1FFFFFF0, s6  }
0xfd: {  	s12 =	sadd.s32 $0xC800, s9;
	s6 =	sadd.s32 s3, s6  }
0xfe: {  	[tilespmem:s12], [sflag:$0x2] =	stream.linear.gather [hbm4b:s6+s2], $0x80, $0x38;
	[tilespmem:$0x12C00] =	vst v63  }
0xff: {  	s10 =	sand.u32 $0x1FFFFFF0, s10;
	s21 =	spop (v2sf);
	(v2sf) =	vpush v0, $0x8  }
0x100: {  	s16 =	sadd.s32 $0xC880, s9;
	s10 =	sadd.s32 s3, s10  }
0x101: {  	[tilespmem:s16], [sflag:$0x2] =	stream.linear.gather [hbm4b:s10+s2], $0x80, $0x38;
	[tilespmem:$0x12C00] =	vst v63  }
0x102: {  	s18 =	sand.u32 $0x1FFFFFF0, s17;
	s25 =	spop (v2sf);
	(v2sf) =	vpush v0, $0x9  }
0x103: {  	s19 =	sadd.s32 $0xC900, s9;
	s6 =	sadd.s32 s3, s18  }
0x104: {  	[tilespmem:s19], [sflag:$0x2] =	stream.linear.gather [hbm4b:s6+s2], $0x80, $0x38;
	[tilespmem:$0x12C00] =	vst v63  }
0x105: {  	s6 =	sand.u32 $0x1FFFFFF0, s21;
	s29 =	spop (v2sf);
	(v2sf) =	vpush v0, $0xA  }
0x106: {  	s22 =	sadd.s32 $0xC980, s9;
	s23 =	sand.u32 $0x1FFFFFF0, s20;
	s6 =	sadd.s32 s3, s6  }
0x107: {  	[tilespmem:s22], [sflag:$0x2] =	stream.linear.gather [hbm4b:s6+s2], $0x80, $0x38;
	[tilespmem:$0x12C00] =	vst v63  }
0x108: {  	s24 =	sadd.s32 $0xCA00, s9;
	s6 =	sadd.s32 s3, s23  }
0x109: {  	[tilespmem:s24], [sflag:$0x2] =	stream.linear.gather [hbm4b:s6+s2], $0x80, $0x38;
	[tilespmem:$0x12C00] =	vst v63  }
0x10a: {  	s6 =	sand.u32 $0x1FFFFFF0, s25;
	s10 =	spop (v2sf);
	(v2sf) =	vpush v0, $0xB  }
0x10b: {  	s26 =	sadd.s32 $0xCA80, s9;
	s6 =	sadd.s32 s3, s6  }
0x10c: {  	[tilespmem:s26], [sflag:$0x2] =	stream.linear.gather [hbm4b:s6+s2], $0x80, $0x38;
	[tilespmem:$0x12C00] =	vst v63  }
0x10d: {  	s6 =	sand.u32 $0x1FFFFFF0, s29  }
0x10e: {  	s30 =	sadd.s32 $0xCB00, s9;
	s6 =	sadd.s32 s3, s6;
	s13 =	spop (v2sf);
	(v2sf) =	vpush v0, $0xC  }
0x10f: {  	[tilespmem:s30], [sflag:$0x2] =	stream.linear.gather [hbm4b:s6+s2], $0x80, $0x38;
	[tilespmem:$0x12C00] =	vst v63  }
0x110: {  	s6 =	sand.u32 $0x1FFFFFF0, s10  }
0x111: {  	s12 =	sadd.s32 $0xCB80, s9;
	s6 =	sadd.s32 s3, s6;
	s15 =	spop (v2sf);
	(v2sf) =	vpush v0, $0xD  }
0x112: {  	[tilespmem:s12], [sflag:$0x2] =	stream.linear.gather [hbm4b:s6+s2], $0x80, $0x38;
	[tilespmem:$0x12C00] =	vst v63  }
0x113: {  	s6 =	sand.u32 $0x1FFFFFF0, s13  }
0x114: {  	s14 =	sadd.s32 $0xCC00, s9;
	s6 =	sadd.s32 s3, s6;
	s17 =	spop (v2sf);
	(v2sf) =	vpush v0, $0xE  }
0x115: {  	[tilespmem:s14], [sflag:$0x2] =	stream.linear.gather [hbm4b:s6+s2], $0x80, $0x38;
	[tilespmem:$0x12C00] =	vst v63  }
0x116: {  	s6 =	sand.u32 $0x1FFFFFF0, s15  }
0x117: {  	s16 =	sadd.s32 $0xCC80, s9;
	s6 =	sadd.s32 s3, s6  }
0x118: {  	[tilespmem:s16], [sflag:$0x2] =	stream.linear.gather [hbm4b:s6+s2], $0x80, $0x38;
	[tilespmem:$0x12C00] =	vst v63  }
0x119: {  	s6 =	sand.u32 $0x1FFFFFF0, s17;
	s19 =	spop (v2sf);
	(v2sf) =	vpush v0, $0xF  }
0x11a: {  	s18 =	sadd.s32 $0xCD00, s9;
	s6 =	sadd.s32 s3, s6  }
0x11b: {  	[tilespmem:s18], [sflag:$0x2] =	stream.linear.gather [hbm4b:s6+s2], $0x80, $0x38;
	[tilespmem:$0x12C00] =	vst v63  }
0x11c: {  	s6 =	sand.u32 $0x1FFFFFF0, s19  }
0x11d: {  	s20 =	sadd.s32 $0xCD80, s9;
	s6 =	sadd.s32 s3, s6;
	s21 =	spop (v2sf)  }
0x11e: {  	[tilespmem:s20], [sflag:$0x2] =	stream.linear.gather [hbm4b:s6+s2], $0x80, $0x38;
	[tilespmem:$0x12C00] =	vst v63  }
0x11f: {  	s6 =	sand.u32 $0x1FFFFFF0, s21  }
0x120: {  	s22 =	sadd.s32 $0xCE00, s9;
	s23 =	spop (v2sf);
	s6 =	sadd.s32 s3, s6  }
0x121: {  	[tilespmem:s22], [sflag:$0x2] =	stream.linear.gather [hbm4b:s6+s2], $0x80, $0x38;
	[tilespmem:$0x12C00] =	vst v63  }
0x122: {  	s6 =	sand.u32 $0x1FFFFFF0, s23  }
0x123: {  	s24 =	sadd.s32 $0xCE80, s9;
	s25 =	spop (v2sf);
	s6 =	sadd.s32 s3, s6  }
0x124: {  	[tilespmem:s24], [sflag:$0x2] =	stream.linear.gather [hbm4b:s6+s2], $0x80, $0x38;
	[tilespmem:$0x12C00] =	vst v63  }
0x125: {  	s6 =	sand.u32 $0x1FFFFFF0, s25  }
0x126: {  	s26 =	sadd.s32 $0xCF00, s9;
	s6 =	sadd.s32 s3, s6  }
0x127: {  	[tilespmem:s26], [sflag:$0x2] =	stream.linear.gather [hbm4b:s6+s2], $0x80, $0x38;
	[tilespmem:$0x12C00] =	vst v63  }
0x128: {  	s29 =	spop (v2sf)  }
0x129: {  	s6 =	sand.u32 $0x1FFFFFF0, s29  }
0x12a: {  	s30 =	sadd.s32 $0xCF80, s9;
	s6 =	sadd.s32 s3, s6  }
0x12b: {  	[tilespmem:s30], [sflag:$0x2] =	stream.linear.gather [hbm4b:s6+s2], $0x80, $0x38;
	[tilespmem:$0x12C00] =	vst v63  }
0x12c: {  	v63 =	vld [tilespmem:s0+$0xB8];
	_ =	sdelay $0x4  }
0x12d: {  	v0 =	vshll.u32 v63, $0x4  }
0x12e: {  	(v2sf) =	vpush v0, $0x8;
	_ =	sdelay $0x1  }
0x12f: {  	(v2sf) =	vpush v0, $0x9;
	_ =	sdelay $0x1  }
0x130: {  	(v2sf) =	vpush v0, $0xA;
	_ =	sdelay $0x2  }
0x131: {  	(v2sf) =	vpush v0, $0xB;
	_ =	sdelay $0x7  }
0x132: {  	s10 =	spop (v2sf);
	(v2sf) =	vpush v0, $0xC;
	_ =	sdelay $0x1  }
0x133: {  	s13 =	spop (v2sf);
	(v2sf) =	vpush v0, $0xD  }
0x134: {  	s0 =	sand.u32 $0x1FFFFFF0, s10  }
0x135: {  	s12 =	simm.s32 $0x12800;
	s0 =	sadd.s32 s3, s0;
	s15 =	spop (v2sf)  }
0x136: {  	(v2sf) =	vpush v0, $0xE;
	[tilespmem:s12], [sflag:$0x2] =	stream.linear.gather [hbm4b:s0+s2], $0x80, $0x38;
	[tilespmem:$0x12C00] =	vst v63  }
0x137: {  	s0 =	sand.u32 $0x1FFFFFF0, s13  }
0x138: {  	s14 =	simm.s32 $0x12880;
	s17 =	spop (v2sf);
	s0 =	sadd.s32 s3, s0  }
0x139: {  	(v2sf) =	vpush v0, $0xF;
	[tilespmem:s14], [sflag:$0x2] =	stream.linear.gather [hbm4b:s0+s2], $0x80, $0x38;
	[tilespmem:$0x12C00] =	vst v63  }
0x13a: {  	s0 =	sand.u32 $0x1FFFFFF0, s15  }
0x13b: {  	s16 =	simm.s32 $0x12900;
	s0 =	sadd.s32 s3, s0  }
0x13c: {  	[tilespmem:s16], [sflag:$0x2] =	stream.linear.gather [hbm4b:s0+s2], $0x80, $0x38;
	[tilespmem:$0x12C00] =	vst v63  }
0x13d: {  	s0 =	sand.u32 $0x1FFFFFF0, s17  }
0x13e: {  	s18 =	simm.s32 $0x12980;
	s0 =	sadd.s32 s3, s0  }
0x13f: {  	[tilespmem:s18], [sflag:$0x2] =	stream.linear.gather [hbm4b:s0+s2], $0x80, $0x38;
	[tilespmem:$0x12C00] =	vst v63  }
0x140: {  	s19 =	spop (v2sf)  }
0x141: {  	s0 =	sand.u32 $0x1FFFFFF0, s19  }
0x142: {  	s20 =	simm.s32 $0x12A00;
	s21 =	spop (v2sf);
	s0 =	sadd.s32 s3, s0  }
0x143: {  	[tilespmem:s20], [sflag:$0x2] =	stream.linear.gather [hbm4b:s0+s2], $0x80, $0x38;
	[tilespmem:$0x12C00] =	vst v63  }
0x144: {  	s0 =	sand.u32 $0x1FFFFFF0, s21  }
0x145: {  	s22 =	simm.s32 $0x12A80;
	s23 =	spop (v2sf);
	s0 =	sadd.s32 s3, s0  }
0x146: {  	[tilespmem:s22], [sflag:$0x2] =	stream.linear.gather [hbm4b:s0+s2], $0x80, $0x38;
	[tilespmem:$0x12C00] =	vst v63  }
0x147: {  	s0 =	sand.u32 $0x1FFFFFF0, s23  }
0x148: {  	s24 =	simm.s32 $0x12B00;
	s25 =	spop (v2sf);
	s0 =	sadd.s32 s3, s0  }
0x149: {  	[tilespmem:s24], [sflag:$0x2] =	stream.linear.gather [hbm4b:s0+s2], $0x80, $0x38;
	[tilespmem:$0x12C00] =	vst v63  }
0x14a: {  	s0 =	sand.u32 $0x1FFFFFF0, s25  }
0x14b: {  	p0 =	seq.s32 s1, $0x3F;
	s26 =	simm.s32 $0x12B80;
	s0 =	sadd.s32 s3, s0  }
0x14c: {  	[tilespmem:s26], [sflag:$0x2] =	stream.linear.gather [hbm4b:s0+s2], $0x80, $0x38;
	[tilespmem:$0x12C00] =	vst v63  }
.Ltmp6:
0x14d: {  	s29 =	sadd.s32 s5, s31;
	s30 =	simm.s32 $0x1;
	(pc) =	sbr.rel @p0 .LBB2_10-.Ltmp6, $4  }
0x14e: {  	s0 =	smul.u32 $0xC80, s29;
	_ =	swait.ge [sflag:s30], $0x6400  }
0x14f: {  	[sflag:s30] =	ssyncset.done $0x0  }
0x150: {  	s31 =	simm.s32 $0x6400;
	s0 =	sadd.s32 s4, s0;
	[sflag:s30] =	ssyncadd.s32 $0xFFFF9C00  }
0x151: {  	[hbm4b:s0+s2] =	stream.linear.scatter [tilespmem:s31], [sflag:$0x3], $0x6400, $0x38;
	[tilespmem:$0x12C00] =	vst v63  }
0x152: {  	s0 =	simm.s32 $0x3  }
0x153: {  	_ =	swait.ge [sflag:s0], $0x6400  }
0x154: {  	[sflag:s0] =	ssyncset.done $0x0  }
0x155: {  	[sflag:s0] =	ssyncadd.s32 $0xFFFF9C00  }
0x156: {  	v0 =	vld [tilespmem:s7+$0x0];
	_ =	sdelay $0x4  }
0x157: {  	v0 =	vshll.u32 v0, $0x4  }
0x158: {  	(v2sf) =	vpush v0, $0x0  }
0x159: {  	(v2sf) =	vpush v0, $0x1  }
0x15a: {  	(v2sf) =	vpush v0, $0x2;
	_ =	sdelay $0x1  }
0x15b: {  	(v2sf) =	vpush v0, $0x4;
	_ =	sdelay $0x1  }
0x15c: {  	s31 =	smul.u32 $0x640, s1;
	(v2sf) =	vpush v0, $0x3  }
0x15d: {  	s10 =	simm.s32 $0x2000;
	(v2sf) =	vpush v0, $0x5  }
0x15e: {  	s9 =	simm.s32 $0x0;
	s6 =	smov.u32 s7;
	s0 =	sshra.s32 s31, $0x2;
	(v2sf) =	vpush v0, $0x6  }
.LBB2_8:
0x15f: {  	p0 =	sne.s32 s10, $0x16000  }
0x160: {  	s21 =	sadd.s32 $0x6480, s9;
	s15 =	sadd.s32 $0x6980, s9;
	s12 =	smov.u32 s10  }
0x161: {  	s10 =	sadd.s32 $0x2000, s10;
	s18 =	sadd.s32 $0x6780, s9;
	s13 =	sadd.s32 $0x6A00, s9;
	(v2sf) =	vpush v0, $0x7  }
0x162: {  	s20 =	sadd.s32 $0x6680, s9;
	s17 =	sadd.s32 $0x6800, s9;
	s14 =	sadd.s32 $0x6A80, s9  }
0x163: {  	s22 =	sadd.s32 $0x6400, s9;
	s23 =	sadd.s32 $0x6600, s9;
	(v2sf) =	vpush v0, $0x8  }
0x164: {  	s24 =	sadd.s32 $0x6700, s9;
	s6 =	sadd.s32 $0x10, s6  }
0x165: {  	s25 =	sadd.s32 $0x6500, s9;
	s16 =	sadd.s32 $0x6900, s9;
	s19 =	spop (v2sf);
	(v2sf) =	vpush v0, $0x9  }
0x166: {  	s26 =	sand.u32 $0x1FFFFFF0, s19;
	s19 =	sadd.s32 $0x6880, s9;
	s29 =	spop (v2sf)  }
0x167: {  	s26 =	sadd.s32 s3, s26;
	s29 =	sand.u32 $0x1FFFFFF0, s29;
	s30 =	spop (v2sf);
	(v2sf) =	vpush v0, $0xA  }
0x168: {  	[tilespmem:s22], [sflag:$0x1] =	stream.linear.gather [hbm4b:s26+s2], $0x80, $0x38;
	[tilespmem:$0x12C00] =	vst v63  }
0x169: {  	s22 =	sadd.s32 s3, s29;
	s26 =	sadd.s32 $0x6580, s9;
	s29 =	spop (v2sf);
	(v2sf) =	vpush v0, $0xB  }
0x16a: {  	[tilespmem:s21], [sflag:$0x1] =	stream.linear.gather [hbm4b:s22+s2], $0x80, $0x38;
	[tilespmem:$0x12C00] =	vst v63  }
0x16b: {  	s21 =	sand.u32 $0x1FFFFFF0, s30;
	s22 =	sand.u32 $0x1FFFFFF0, s29;
	s29 =	spop (v2sf);
	(v2sf) =	vpush v0, $0xC  }
0x16c: {  	s21 =	sadd.s32 s3, s21;
	s29 =	sand.u32 $0x1FFFFFF0, s29;
	s30 =	spop (v2sf)  }
0x16d: {  	[tilespmem:s25], [sflag:$0x1] =	stream.linear.gather [hbm4b:s21+s2], $0x80, $0x38;
	(v2sf) =	vpush v0, $0xD;
	[tilespmem:$0x12C00] =	vst v63  }
0x16e: {  	s21 =	sadd.s32 s3, s29;
	s25 =	sand.u32 $0x1FFFFFF0, s30;
	s29 =	spop (v2sf)  }
0x16f: {  	[tilespmem:s26], [sflag:$0x1] =	stream.linear.gather [hbm4b:s21+s2], $0x80, $0x38;
	(v2sf) =	vpush v0, $0xE;
	[tilespmem:$0x12C00] =	vst v63  }
0x170: {  	s21 =	sadd.s32 s3, s22;
	s22 =	sand.u32 $0x1FFFFFF0, s29;
	s26 =	spop (v2sf)  }
0x171: {  	[tilespmem:s23], [sflag:$0x1] =	stream.linear.gather [hbm4b:s21+s2], $0x80, $0x38;
	(v2sf) =	vpush v0, $0xF;
	[tilespmem:$0x12C00] =	vst v63  }
0x172: {  	s21 =	sadd.s32 s3, s25;
	s23 =	sand.u32 $0x1FFFFFF0, s26;
	s25 =	spop (v2sf)  }
0x173: {  	[tilespmem:s20], [sflag:$0x1] =	stream.linear.gather [hbm4b:s21+s2], $0x80, $0x38;
	[tilespmem:$0x12C00] =	vst v63  }
0x174: {  	s20 =	sadd.s32 s3, s22;
	s21 =	sand.u32 $0x1FFFFFF0, s25;
	s22 =	spop (v2sf)  }
0x175: {  	[tilespmem:s24], [sflag:$0x1] =	stream.linear.gather [hbm4b:s20+s2], $0x80, $0x38;
	[tilespmem:$0x12C00] =	vst v63  }
0x176: {  	s20 =	sadd.s32 s3, s23;
	s22 =	sand.u32 $0x1FFFFFF0, s22;
	s23 =	spop (v2sf)  }
0x177: {  	[tilespmem:s18], [sflag:$0x1] =	stream.linear.gather [hbm4b:s20+s2], $0x80, $0x38;
	[tilespmem:$0x12C00] =	vst v63  }
0x178: {  	s18 =	sadd.s32 s3, s21;
	s20 =	sand.u32 $0x1FFFFFF0, s23;
	s21 =	spop (v2sf)  }
0x179: {  	[tilespmem:s17], [sflag:$0x1] =	stream.linear.gather [hbm4b:s18+s2], $0x80, $0x38;
	[tilespmem:$0x12C00] =	vst v63  }
0x17a: {  	s17 =	sadd.s32 s3, s22;
	s18 =	sand.u32 $0x1FFFFFF0, s21;
	s21 =	spop (v2sf)  }
0x17b: {  	[tilespmem:s19], [sflag:$0x1] =	stream.linear.gather [hbm4b:s17+s2], $0x80, $0x38;
	[tilespmem:$0x12C00] =	vst v63  }
0x17c: {  	s17 =	sadd.s32 s3, s20;
	s19 =	sand.u32 $0x1FFFFFF0, s21;
	s20 =	spop (v2sf)  }
0x17d: {  	[tilespmem:s16], [sflag:$0x1] =	stream.linear.gather [hbm4b:s17+s2], $0x80, $0x38;
	[tilespmem:$0x12C00] =	vst v63  }
0x17e: {  	s16 =	sadd.s32 s3, s18;
	s17 =	sand.u32 $0x1FFFFFF0, s20;
	s18 =	spop (v2sf)  }
0x17f: {  	[tilespmem:s15], [sflag:$0x1] =	stream.linear.gather [hbm4b:s16+s2], $0x80, $0x38;
	[tilespmem:$0x12C00] =	vst v63  }
0x180: {  	s15 =	sadd.s32 s3, s19;
	s16 =	sand.u32 $0x1FFFFFF0, s18;
	s18 =	spop (v2sf)  }
0x181: {  	[tilespmem:s13], [sflag:$0x1] =	stream.linear.gather [hbm4b:s15+s2], $0x80, $0x38;
	[tilespmem:$0x12C00] =	vst v63  }
0x182: {  	s13 =	sadd.s32 s3, s17;
	s15 =	sand.u32 $0x1FFFFFF0, s18  }
0x183: {  	[tilespmem:s14], [sflag:$0x1] =	stream.linear.gather [hbm4b:s13+s2], $0x80, $0x38;
	[tilespmem:$0x12C00] =	vst v63  }
0x184: {  	s13 =	sadd.s32 $0x6B00, s9;
	s14 =	sadd.s32 s3, s16  }
0x185: {  	[tilespmem:s13], [sflag:$0x1] =	stream.linear.gather [hbm4b:s14+s2], $0x80, $0x38;
	[tilespmem:$0x12C00] =	vst v63  }
0x186: {  	s9 =	sadd.s32 $0x6B80, s9;
	s13 =	sadd.s32 s3, s15  }
0x187: {  	[tilespmem:s9], [sflag:$0x1] =	stream.linear.gather [hbm4b:s13+s2], $0x80, $0x38;
	[tilespmem:$0x12C00] =	vst v63  }
0x188: {  	v0 =	vld [tilespmem:s6+$0x0];
	_ =	sdelay $0x4  }
0x189: {  	v0 =	vshll.u32 v0, $0x4  }
0x18a: {  	(v2sf) =	vpush v0, $0x0  }
0x18b: {  	(v2sf) =	vpush v0, $0x1  }
0x18c: {  	(v2sf) =	vpush v0, $0x2;
	_ =	sdelay $0x1  }
0x18d: {  	(v2sf) =	vpush v0, $0x4  }
.Ltmp7:
0x18e: {  	(pc) =	sbr.rel @p0 .LBB2_8-.Ltmp7, $3  }
0x18f: {  	(v2sf) =	vpush v0, $0x3  }
0x190: {  	(v2sf) =	vpush v0, $0x5;
	_ =	sdelay $0x1  }
0x191: {  	s9 =	sshra.s32 s12, $0x2;
	(v2sf) =	vpush v0, $0x6  }
0x192: {  	_ =	sdelay $0x5  }
0x193: {  	s6 =	spop (v2sf)  }
0x194: {  	s10 =	spop (v2sf)  }
0x195: {  	s20 =	spop (v2sf)  }
0x196: {  	s23 =	spop (v2sf);
	(v2sf) =	vpush v0, $0x7  }
0x197: {  	s6 =	sand.u32 $0x1FFFFFF0, s6  }
0x198: {  	s12 =	sadd.s32 $0x6400, s9;
	s6 =	sadd.s32 s3, s6  }
0x199: {  	[tilespmem:s12], [sflag:$0x1] =	stream.linear.gather [hbm4b:s6+s2], $0x80, $0x38;
	[tilespmem:$0x12C00] =	vst v63  }
0x19a: {  	s10 =	sand.u32 $0x1FFFFFF0, s10;
	s24 =	spop (v2sf);
	(v2sf) =	vpush v0, $0x8  }
0x19b: {  	s19 =	sadd.s32 $0x6480, s9;
	s10 =	sadd.s32 s3, s10  }
0x19c: {  	[tilespmem:s19], [sflag:$0x1] =	stream.linear.gather [hbm4b:s10+s2], $0x80, $0x38;
	[tilespmem:$0x12C00] =	vst v63  }
0x19d: {  	s21 =	sand.u32 $0x1FFFFFF0, s20;
	s30 =	spop (v2sf);
	(v2sf) =	vpush v0, $0x9  }
0x19e: {  	s22 =	sadd.s32 $0x6500, s9;
	s6 =	sadd.s32 s3, s21  }
0x19f: {  	[tilespmem:s22], [sflag:$0x1] =	stream.linear.gather [hbm4b:s6+s2], $0x80, $0x38;
	[tilespmem:$0x12C00] =	vst v63  }
0x1a0: {  	s6 =	sand.u32 $0x1FFFFFF0, s24;
	s12 =	spop (v2sf);
	(v2sf) =	vpush v0, $0xA  }
0x1a1: {  	s25 =	sadd.s32 $0x6580, s9;
	s26 =	sand.u32 $0x1FFFFFF0, s23;
	s6 =	sadd.s32 s3, s6  }
0x1a2: {  	[tilespmem:s25], [sflag:$0x1] =	stream.linear.gather [hbm4b:s6+s2], $0x80, $0x38;
	[tilespmem:$0x12C00] =	vst v63  }
0x1a3: {  	s29 =	sadd.s32 $0x6600, s9;
	s6 =	sadd.s32 s3, s26  }
0x1a4: {  	[tilespmem:s29], [sflag:$0x1] =	stream.linear.gather [hbm4b:s6+s2], $0x80, $0x38;
	[tilespmem:$0x12C00] =	vst v63  }
0x1a5: {  	s6 =	sand.u32 $0x1FFFFFF0, s30;
	s14 =	spop (v2sf);
	(v2sf) =	vpush v0, $0xB  }
0x1a6: {  	s31 =	sadd.s32 $0x6680, s9;
	s6 =	sadd.s32 s3, s6  }
0x1a7: {  	[tilespmem:s31], [sflag:$0x1] =	stream.linear.gather [hbm4b:s6+s2], $0x80, $0x38;
	[tilespmem:$0x12C00] =	vst v63  }
0x1a8: {  	s6 =	sand.u32 $0x1FFFFFF0, s12  }
0x1a9: {  	s13 =	sadd.s32 $0x6700, s9;
	s6 =	sadd.s32 s3, s6;
	s16 =	spop (v2sf);
	(v2sf) =	vpush v0, $0xC  }
0x1aa: {  	[tilespmem:s13], [sflag:$0x1] =	stream.linear.gather [hbm4b:s6+s2], $0x80, $0x38;
	[tilespmem:$0x12C00] =	vst v63  }
0x1ab: {  	s6 =	sand.u32 $0x1FFFFFF0, s14  }
0x1ac: {  	s15 =	sadd.s32 $0x6780, s9;
	s6 =	sadd.s32 s3, s6;
	s18 =	spop (v2sf);
	(v2sf) =	vpush v0, $0xD  }
0x1ad: {  	[tilespmem:s15], [sflag:$0x1] =	stream.linear.gather [hbm4b:s6+s2], $0x80, $0x38;
	[tilespmem:$0x12C00] =	vst v63  }
0x1ae: {  	s6 =	sand.u32 $0x1FFFFFF0, s16  }
0x1af: {  	s17 =	sadd.s32 $0x6800, s9;
	s6 =	sadd.s32 s3, s6;
	s20 =	spop (v2sf);
	(v2sf) =	vpush v0, $0xE  }
0x1b0: {  	[tilespmem:s17], [sflag:$0x1] =	stream.linear.gather [hbm4b:s6+s2], $0x80, $0x38;
	[tilespmem:$0x12C00] =	vst v63  }
0x1b1: {  	s6 =	sand.u32 $0x1FFFFFF0, s18  }
0x1b2: {  	s19 =	sadd.s32 $0x6880, s9;
	s6 =	sadd.s32 s3, s6  }
0x1b3: {  	[tilespmem:s19], [sflag:$0x1] =	stream.linear.gather [hbm4b:s6+s2], $0x80, $0x38;
	[tilespmem:$0x12C00] =	vst v63  }
0x1b4: {  	s6 =	sand.u32 $0x1FFFFFF0, s20;
	s22 =	spop (v2sf);
	(v2sf) =	vpush v0, $0xF  }
0x1b5: {  	s21 =	sadd.s32 $0x6900, s9;
	s6 =	sadd.s32 s3, s6  }
0x1b6: {  	[tilespmem:s21], [sflag:$0x1] =	stream.linear.gather [hbm4b:s6+s2], $0x80, $0x38;
	[tilespmem:$0x12C00] =	vst v63  }
0x1b7: {  	s6 =	sand.u32 $0x1FFFFFF0, s22  }
0x1b8: {  	s23 =	sadd.s32 $0x6980, s9;
	s6 =	sadd.s32 s3, s6;
	s24 =	spop (v2sf)  }
0x1b9: {  	[tilespmem:s23], [sflag:$0x1] =	stream.linear.gather [hbm4b:s6+s2], $0x80, $0x38;
	[tilespmem:$0x12C00] =	vst v63  }
0x1ba: {  	s6 =	sand.u32 $0x1FFFFFF0, s24  }
0x1bb: {  	s25 =	sadd.s32 $0x6A00, s9;
	s26 =	spop (v2sf);
	s6 =	sadd.s32 s3, s6  }
0x1bc: {  	[tilespmem:s25], [sflag:$0x1] =	stream.linear.gather [hbm4b:s6+s2], $0x80, $0x38;
	[tilespmem:$0x12C00] =	vst v63  }
0x1bd: {  	s6 =	sand.u32 $0x1FFFFFF0, s26  }
0x1be: {  	s29 =	sadd.s32 $0x6A80, s9;
	s30 =	spop (v2sf);
	s6 =	sadd.s32 s3, s6  }
0x1bf: {  	[tilespmem:s29], [sflag:$0x1] =	stream.linear.gather [hbm4b:s6+s2], $0x80, $0x38;
	[tilespmem:$0x12C00] =	vst v63  }
0x1c0: {  	s6 =	sand.u32 $0x1FFFFFF0, s30  }
0x1c1: {  	s31 =	sadd.s32 $0x6B00, s9;
	s6 =	sadd.s32 s3, s6  }
0x1c2: {  	[tilespmem:s31], [sflag:$0x1] =	stream.linear.gather [hbm4b:s6+s2], $0x80, $0x38;
	[tilespmem:$0x12C00] =	vst v63  }
0x1c3: {  	s12 =	spop (v2sf)  }
0x1c4: {  	s6 =	sand.u32 $0x1FFFFFF0, s12  }
0x1c5: {  	s13 =	sadd.s32 $0x6B80, s9;
	s6 =	sadd.s32 s3, s6  }
0x1c6: {  	[tilespmem:s13], [sflag:$0x1] =	stream.linear.gather [hbm4b:s6+s2], $0x80, $0x38;
	[tilespmem:$0x12C00] =	vst v63  }
0x1c7: {  	v63 =	vld [tilespmem:s0+$0x248];
	_ =	sdelay $0x4  }
0x1c8: {  	v0 =	vshll.u32 v63, $0x4  }
0x1c9: {  	(v2sf) =	vpush v0, $0x8;
	_ =	sdelay $0x1  }
0x1ca: {  	(v2sf) =	vpush v0, $0x9;
	_ =	sdelay $0x1  }
0x1cb: {  	(v2sf) =	vpush v0, $0xA;
	_ =	sdelay $0x2  }
0x1cc: {  	(v2sf) =	vpush v0, $0xB;
	_ =	sdelay $0x7  }
0x1cd: {  	s14 =	spop (v2sf);
	(v2sf) =	vpush v0, $0xC;
	_ =	sdelay $0x1  }
0x1ce: {  	s16 =	spop (v2sf);
	(v2sf) =	vpush v0, $0xD  }
0x1cf: {  	s0 =	sand.u32 $0x1FFFFFF0, s14  }
0x1d0: {  	s15 =	simm.s32 $0xC400;
	s0 =	sadd.s32 s3, s0;
	s18 =	spop (v2sf)  }
0x1d1: {  	(v2sf) =	vpush v0, $0xE;
	[tilespmem:s15], [sflag:$0x1] =	stream.linear.gather [hbm4b:s0+s2], $0x80, $0x38;
	[tilespmem:$0x12C00] =	vst v63  }
0x1d2: {  	s0 =	sand.u32 $0x1FFFFFF0, s16  }
0x1d3: {  	s17 =	simm.s32 $0xC480;
	s20 =	spop (v2sf);
	s0 =	sadd.s32 s3, s0  }
0x1d4: {  	(v2sf) =	vpush v0, $0xF;
	[tilespmem:s17], [sflag:$0x1] =	stream.linear.gather [hbm4b:s0+s2], $0x80, $0x38;
	[tilespmem:$0x12C00] =	vst v63  }
0x1d5: {  	s0 =	sand.u32 $0x1FFFFFF0, s18  }
0x1d6: {  	s19 =	simm.s32 $0xC500;
	s0 =	sadd.s32 s3, s0  }
0x1d7: {  	[tilespmem:s19], [sflag:$0x1] =	stream.linear.gather [hbm4b:s0+s2], $0x80, $0x38;
	[tilespmem:$0x12C00] =	vst v63  }
0x1d8: {  	s0 =	sand.u32 $0x1FFFFFF0, s20  }
0x1d9: {  	s21 =	simm.s32 $0xC580;
	s0 =	sadd.s32 s3, s0  }
0x1da: {  	[tilespmem:s21], [sflag:$0x1] =	stream.linear.gather [hbm4b:s0+s2], $0x80, $0x38;
	[tilespmem:$0x12C00] =	vst v63  }
0x1db: {  	s22 =	spop (v2sf)  }
0x1dc: {  	s0 =	sand.u32 $0x1FFFFFF0, s22  }
0x1dd: {  	s23 =	simm.s32 $0xC600;
	s24 =	spop (v2sf);
	s0 =	sadd.s32 s3, s0  }
0x1de: {  	[tilespmem:s23], [sflag:$0x1] =	stream.linear.gather [hbm4b:s0+s2], $0x80, $0x38;
	[tilespmem:$0x12C00] =	vst v63  }
0x1df: {  	s0 =	sand.u32 $0x1FFFFFF0, s24  }
0x1e0: {  	s25 =	simm.s32 $0xC680;
	s26 =	spop (v2sf);
	s0 =	sadd.s32 s3, s0  }
0x1e1: {  	[tilespmem:s25], [sflag:$0x1] =	stream.linear.gather [hbm4b:s0+s2], $0x80, $0x38;
	[tilespmem:$0x12C00] =	vst v63  }
0x1e2: {  	s29 =	simm.s32 $0xC700;
	s0 =	sand.u32 $0x1FFFFFF0, s26  }
.Ltmp8:
0x1e3: {  	s30 =	spop (v2sf);
	s0 =	sadd.s32 s3, s0;
	(pc) =	sbr.rel .LBB2_10-.Ltmp8, $4  }
0x1e4: {  	[tilespmem:s29], [sflag:$0x1] =	stream.linear.gather [hbm4b:s0+s2], $0x80, $0x38;
	[tilespmem:$0x12C00] =	vst v63  }
0x1e5: {  	s0 =	sand.u32 $0x1FFFFFF0, s30  }
0x1e6: {  	s31 =	simm.s32 $0xC780;
	s0 =	sadd.s32 s3, s0  }
0x1e7: {  	[tilespmem:s31], [sflag:$0x1] =	stream.linear.gather [hbm4b:s0+s2], $0x80, $0x38;
	[tilespmem:$0x12C00] =	vst v63  }
.LBB2_12:
0x1e8: {  	_ =	sfence.sel $0x180000  }
0x1e9: {  	[bflag:$0x0] =	sbarrier.arrive $0xFFFF  }
0x1ea: {  	_ =	strace $0x90000047  }
0x1eb: {  	s0 =	stileid.u32;
	[bflag:$0x2] =	sbarrier.arrive $0xFFFF  }
0x1ec: {  	p0 =	sne.s32 s0, $0x0;
	s0 =	rddreg [dreg:$0x2]  }
0x1ed: {  	s0 =	sadd.s32 @!p0 $0x100000, s0  }
0x1ee: {  	[sflag:s0] =	ssyncadd.tile.s32 @!p0 $0x1;
	_ =	shalt  }
.Lfunc_end2:
_tile_overlayer_lowered:
.L_overlay_start_2:
0x1ef: {  	(tag) =	ssettag $0x2  }
0x1f0: {  	s0 =	rddreg [dreg:$0x0];
	s2 =	stileid.u32  }
0x1f1: {  	s1 =	rddreg [dreg:$0x1];
	p0 =	sne.s32 s2, $0x0  }
0x1f2: {  	s3 =	rddreg [dreg:$0x2];
	[bflag:$0x3] =	sbarrier.arrive $0xFFFF;
	s2 =	simm.s32 @!p0 $0x1C05  }
0x1f3: {  	[timem:s3], [sflag:s2] =	dma.local @!p0 [hbm:s0], s1  }
0x1f4: {  	s0 =	simm.s32 @!p0 $0x5  }
0x1f5: {  	_ =	swait.ge @!p0 [sflag:s0], s1  }
0x1f6: {  	s1 =	ssub.s32 @!p0 $0x0, s1;
	[sflag:s0] =	ssyncset.done @!p0 $0x0  }
0x1f7: {  	[sflag:s0] =	ssyncadd.s32 @!p0 s1  }
0x1f8: {  	[bflag:$0x3] =	sbarrier.arrive $0xFFFF  }
0x1f9: {  	_ =	shalt  }

</sc_bundles>
